<compile_context>
chip_gen: v7x
topology: tpu7x:2x2x1
jax: 0.10.2.dev20260603
libtpu: 0.0.44.dev20260713+nightly
codegen_flags: <defaults>
</compile_context>

<pallas_src>
import functools

import jax
import jax.numpy as jnp
from jax import lax
from jax.experimental import pallas as pl
from jax.experimental.pallas import tpu as pltpu
from jax.experimental.pallas import tpu_sc as plsc

_NPAD = 10240
_ECHUNK = 128
_NB = 1024



def _sc_degree(dst2d, npad):
    nch = dst2d.shape[0]
    ch_per_tile = nch // 32
    rpt = npad // 16
    w = 16
    zrows = 64

    mesh = plsc.VectorSubcoreMesh(core_axis_name="c", subcore_axis_name="s")

    @functools.partial(
        pl.kernel,
        out_type=jax.ShapeDtypeStruct((2 * npad, w), jnp.float32),
        mesh=mesh,
        compiler_params=pltpu.CompilerParams(use_tc_tiling_on_sc=False),
        scratch_types=[
            pltpu.VMEM((ch_per_tile, 128), jnp.int32),
            pltpu.VMEM((_ECHUNK, w), jnp.float32),
            pltpu.VMEM((zrows, w), jnp.float32),
            pltpu.VMEM_SHARED((npad, w), jnp.float32),
        ],
    )
    def k(dst_hbm, ones_hbm, zeros_hbm, deg_hbm, didx, ones, zbuf, acc):
        c = lax.axis_index("c")
        s = lax.axis_index("s")
        wid = s * 2 + c

        pltpu.sync_copy(ones_hbm, ones)
        pltpu.sync_copy(zeros_hbm, zbuf)

        def zacc(r, _):
            pltpu.sync_copy(zbuf, acc.at[pl.ds(s * rpt + r * zrows, zrows)])
            return 0
        lax.fori_loop(0, rpt // zrows, zacc, 0)

        pltpu.sync_copy(dst_hbm.at[pl.ds(wid * ch_per_tile, ch_per_tile)],
                        didx)
        plsc.subcore_barrier()

        def body(j, _):
            pltpu.sync_copy(ones, acc.at[didx.at[j]], add=True)
            return 0
        lax.fori_loop(0, ch_per_tile, body, 0)

        plsc.subcore_barrier()
        pltpu.sync_copy(acc.at[pl.ds(s * rpt, rpt)],
                        deg_hbm.at[pl.ds(c * npad + s * rpt, rpt)])

    return k(dst2d, jnp.ones((_ECHUNK, w), jnp.float32),
             jnp.zeros((zrows, w), jnp.float32))


def _sc_scatter(gflat, src2d, dst2d, npad, w):
    nch = src2d.shape[0] * 2
    cw = 64
    ch_per_tile = nch // 16
    nph = 1
    chp = ch_per_tile // nph
    rpt = npad // 16

    src_off = jnp.concatenate([src2d, src2d + npad], axis=0).reshape(
        2 * nch, cw)
    dst2 = dst2d.reshape(nch, cw)

    mesh = plsc.VectorSubcoreMesh(core_axis_name="c", subcore_axis_name="s")

    @functools.partial(
        pl.kernel,
        out_type=jax.ShapeDtypeStruct((2 * npad, w), jnp.float32),
        mesh=mesh,
        compiler_params=pltpu.CompilerParams(use_tc_tiling_on_sc=False),
        scratch_types=[
            pltpu.VMEM((chp, cw), jnp.int32),
            pltpu.VMEM((chp, cw), jnp.int32),
            pltpu.VMEM((cw, w), jnp.float32),
            pltpu.VMEM((cw, w), jnp.float32),
            pltpu.VMEM_SHARED((npad, w), jnp.float32),
            pltpu.SemaphoreType.DMA,
            pltpu.SemaphoreType.DMA,
        ],
    )
    def k(g_hbm, src_hbm, dst_hbm, zeros_hbm, out_hbm, sidx, didx,
          bufa, bufb, acc, sema, semb):
        c = lax.axis_index("c")
        s = lax.axis_index("s")

        pltpu.sync_copy(zeros_hbm, bufa)

        def zacc(r, _):
            pltpu.sync_copy(bufa, acc.at[pl.ds(s * rpt + r * cw, cw)])
            return 0
        lax.fori_loop(0, rpt // cw, zacc, 0)

        first = True
        for ph in range(nph):
            base = s * ch_per_tile + ph * chp
            pltpu.sync_copy(src_hbm.at[pl.ds(c * nch + base, chp)], sidx)
            pltpu.sync_copy(dst_hbm.at[pl.ds(base, chp)], didx)
            if first:
                plsc.subcore_barrier()
                first = False

            pltpu.async_copy(g_hbm.at[sidx.at[0]], bufa, sema)

            def body(i, _):
                a = 2 * i
                b = a + 1
                nxt = jnp.minimum(a + 2, chp - 1)
                pltpu.async_copy(g_hbm.at[sidx.at[b]], bufb, semb)
                pltpu.make_async_copy(g_hbm.at[sidx.at[a]], bufa, sema).wait()
                pltpu.sync_copy(bufa, acc.at[didx.at[a]], add=True)
                pltpu.async_copy(g_hbm.at[sidx.at[nxt]], bufa, sema)
                pltpu.make_async_copy(g_hbm.at[sidx.at[b]], bufb, semb).wait()
                pltpu.sync_copy(bufb, acc.at[didx.at[b]], add=True)
                return 0
            lax.fori_loop(0, chp // 2, body, 0)
            pltpu.make_async_copy(g_hbm.at[sidx.at[chp - 1]], bufa,
                                  sema).wait()

        plsc.subcore_barrier()

        pltpu.sync_copy(acc.at[pl.ds(s * rpt, rpt)],
                        out_hbm.at[pl.ds(c * npad + s * rpt, rpt)])

    return k(gflat, src_off, dst2, jnp.zeros((cw, w), jnp.float32))


def _sc_scatter_esplit(g, src2d, dst2d, npad):
    nch = src2d.shape[0] * 2
    cw = 64
    ch_per_tile = nch // 32
    nph = 1
    chp = ch_per_tile // nph
    rpt = npad // 16
    w = 128

    mesh = plsc.VectorSubcoreMesh(core_axis_name="c", subcore_axis_name="s")

    @functools.partial(
        pl.kernel,
        out_type=jax.ShapeDtypeStruct((2 * npad, w), jnp.float32),
        mesh=mesh,
        compiler_params=pltpu.CompilerParams(use_tc_tiling_on_sc=False),
        scratch_types=[
            pltpu.VMEM((chp, cw), jnp.int32),
            pltpu.VMEM((chp, cw), jnp.int32),
            pltpu.VMEM((cw, w), jnp.float32),
            pltpu.VMEM((cw, w), jnp.float32),
            pltpu.VMEM_SHARED((npad, w), jnp.float32),
            pltpu.SemaphoreType.DMA,
            pltpu.SemaphoreType.DMA,
        ],
    )
    def k(g_hbm, src_hbm, dst_hbm, zeros_hbm, out_hbm, sidx, didx,
          bufa, bufb, acc, sema, semb):
        c = lax.axis_index("c")
        s = lax.axis_index("s")

        pltpu.sync_copy(zeros_hbm, bufa)

        def zacc(r, _):
            pltpu.sync_copy(bufa, acc.at[pl.ds(s * rpt + r * cw, cw)])
            return 0
        lax.fori_loop(0, rpt // cw, zacc, 0)

        first = True
        for ph in range(nph):
            base = c * (nch // 2) + s * ch_per_tile + ph * chp
            pltpu.sync_copy(src_hbm.at[pl.ds(base, chp)], sidx)
            pltpu.sync_copy(dst_hbm.at[pl.ds(base, chp)], didx)
            if first:
                plsc.subcore_barrier()
                first = False

            pltpu.async_copy(g_hbm.at[sidx.at[0]], bufa, sema)

            def body(i, _):
                a = 2 * i
                b = a + 1
                nxt = jnp.minimum(a + 2, chp - 1)
                pltpu.async_copy(g_hbm.at[sidx.at[b]], bufb, semb)
                pltpu.make_async_copy(g_hbm.at[sidx.at[a]], bufa, sema).wait()
                pltpu.sync_copy(bufa, acc.at[didx.at[a]], add=True)
                pltpu.async_copy(g_hbm.at[sidx.at[nxt]], bufa, sema)
                pltpu.make_async_copy(g_hbm.at[sidx.at[b]], bufb, semb).wait()
                pltpu.sync_copy(bufb, acc.at[didx.at[b]], add=True)
                return 0
            lax.fori_loop(0, chp // 2, body, 0)
            pltpu.make_async_copy(g_hbm.at[sidx.at[chp - 1]], bufa,
                                  sema).wait()

        plsc.subcore_barrier()

        pltpu.sync_copy(acc.at[pl.ds(s * rpt, rpt)],
                        out_hbm.at[pl.ds(c * npad + s * rpt, rpt)])

    return k(g, src2d.reshape(nch, cw), dst2d.reshape(nch, cw),
             jnp.zeros((cw, w), jnp.float32))



def _tc_layer1(xp, w1p, deg2, npad):
    h = w1p.shape[1]
    grid = (npad // _NB,)

    def body(x_ref, w_ref, deg_ref, g_ref, dinv_ref):
        d = deg_ref[0, :, 0:1] + deg_ref[1, :, 0:1] + 1.0
        dinv = lax.rsqrt(d)
        hh = jnp.dot(x_ref[...], w_ref[...], preferred_element_type=jnp.float32)
        g = hh * dinv
        g_ref[0] = g[:, : h // 2]
        g_ref[1] = g[:, h // 2:]
        dinv_ref[...] = dinv

    return pl.pallas_call(
        body,
        grid=grid,
        in_specs=[
            pl.BlockSpec((_NB, 128), lambda i: (i, 0)),
            pl.BlockSpec((128, h), lambda i: (0, 0)),
            pl.BlockSpec((2, _NB, 16), lambda i: (0, i, 0)),
        ],
        out_specs=[
            pl.BlockSpec((2, _NB, h // 2), lambda i: (0, i, 0)),
            pl.BlockSpec((_NB, 1), lambda i: (i, 0)),
        ],
        out_shape=[
            jax.ShapeDtypeStruct((2, npad, h // 2), jnp.float32),
            jax.ShapeDtypeStruct((npad, 1), jnp.float32),
        ],
    )(xp, w1p, deg2)


def _tc_mid(agg, g, dinv, b2d, wmat, npad, split_out):
    win = agg.shape[2]
    hout = wmat.shape[1]
    grid = (npad // _NB,)

    def body(agg_ref, g_ref, dinv_ref, b_ref, w_ref, out_ref):
        dinv = dinv_ref[...]
        b = b_ref[...]
        a0 = (agg_ref[0] + g_ref[0]) * dinv + b[:, :win]
        a1 = (agg_ref[1] + g_ref[1]) * dinv + b[:, win:]
        act = jnp.maximum(jnp.concatenate([a0, a1], axis=1), 0.0)
        hh = jnp.dot(act, w_ref[...], preferred_element_type=jnp.float32)
        gg = hh * dinv
        if split_out:
            out_ref[0] = gg[:, : hout // 2]
            out_ref[1] = gg[:, hout // 2:]
        else:
            out_ref[...] = gg

    if split_out:
        out_spec = pl.BlockSpec((2, _NB, hout // 2), lambda i: (0, i, 0))
        out_shape = jax.ShapeDtypeStruct((2, npad, hout // 2), jnp.float32)
    else:
        out_spec = pl.BlockSpec((_NB, hout), lambda i: (i, 0))
        out_shape = jax.ShapeDtypeStruct((npad, hout), jnp.float32)

    return pl.pallas_call(
        body,
        grid=grid,
        in_specs=[
            pl.BlockSpec((2, _NB, win), lambda i: (0, i, 0)),
            pl.BlockSpec((2, _NB, win), lambda i: (0, i, 0)),
            pl.BlockSpec((_NB, 1), lambda i: (i, 0)),
            pl.BlockSpec((1, 2 * win), lambda i: (0, 0)),
            pl.BlockSpec((2 * win, hout), lambda i: (0, 0)),
        ],
        out_specs=out_spec,
        out_shape=out_shape,
    )(agg, g, dinv, b2d, wmat)


def _tc_final(agg2, g, dinv, b2d, npad):
    w = g.shape[1]
    grid = (npad // _NB,)

    def body(agg_ref, g_ref, dinv_ref, b_ref, out_ref):
        dinv = dinv_ref[...]
        out_ref[...] = (agg_ref[0] + agg_ref[1] + g_ref[...]) * dinv + b_ref[...]

    return pl.pallas_call(
        body,
        grid=grid,
        in_specs=[
            pl.BlockSpec((2, _NB, w), lambda i: (0, i, 0)),
            pl.BlockSpec((_NB, w), lambda i: (i, 0)),
            pl.BlockSpec((_NB, 1), lambda i: (i, 0)),
            pl.BlockSpec((1, w), lambda i: (0, 0)),
        ],
        out_specs=pl.BlockSpec((_NB, w), lambda i: (i, 0)),
        out_shape=jax.ShapeDtypeStruct((npad, w), jnp.float32),
    )(agg2, g, dinv, b2d)



def kernel(x, edge_index, W1, b1, W2, b2, W3, b3):
    n, f = x.shape
    e = edge_index.shape[1]
    h = W1.shape[1]
    c_out = W3.shape[1]
    npad = _NPAD
    nch = -(-e // _ECHUNK)
    nch = -(-nch // 32) * 32
    epad = nch * _ECHUNK

    xp = jnp.zeros((npad, 128), x.dtype).at[:n, :f].set(x)
    w1p = jnp.zeros((128, h), W1.dtype).at[:f].set(W1)
    w3p = jnp.zeros((h, 128), W3.dtype).at[:, :c_out].set(W3)
    b3p = jnp.zeros((1, 128), b3.dtype).at[0, :c_out].set(b3)
    b1r = b1.reshape(1, h)
    b2r = b2.reshape(1, h)

    fill = jnp.full((epad - e,), npad - 1, jnp.int32)
    src2d = jnp.concatenate([edge_index[0], fill]).reshape(nch, 128)
    dst2d = jnp.concatenate([edge_index[1], fill]).reshape(nch, 128)

    deg2 = _sc_degree(dst2d, npad).reshape(2, npad, 16)
    g1, dinv = _tc_layer1(xp, w1p, deg2, npad)

    agg1 = _sc_scatter(g1.reshape(2 * npad, h // 2), src2d, dst2d, npad, h // 2)
    g2 = _tc_mid(agg1.reshape(2, npad, h // 2), g1, dinv, b1r, W2, npad,
                 split_out=True)

    agg2 = _sc_scatter(g2.reshape(2 * npad, h // 2), src2d, dst2d, npad, h // 2)
    g3 = _tc_mid(agg2.reshape(2, npad, h // 2), g2, dinv, b2r, w3p, npad,
                 split_out=False)

    agg3 = _sc_scatter_esplit(g3, src2d, dst2d, npad)
    out = _tc_final(agg3.reshape(2, npad, 128), g3, dinv, b3p, npad)

    return out[:n, :c_out]

# --- scband reference (transcript-rebuilt; emitter-appended) ---
"""Pipeline reference for scband-gana-gcn-27522150433351 (READ-ONLY COPY).

The authoritative reference and input builder live on the scoring server;
editing this copy changes nothing except your own understanding.
"""

import jax, jax.numpy as jnp
import numpy as np

N = 10000
E = 160000
F_IN = 50   # PPI num_features
H = 256     # hidden_channels
C = 121     # PPI num_classes


def setup_inputs(seed: int = 0) -> dict:
    key = jax.random.key(seed)
    ks = jax.random.split(key, 8)
    x = jax.random.normal(ks[0], (N, F_IN), dtype=jnp.float32)
    edge_index = jax.random.randint(ks[1], (2, E), 0, N, dtype=jnp.int32)
    def glorot(k, fan_in, fan_out):
        lim = np.sqrt(6.0 / (fan_in + fan_out))
        return jax.random.uniform(k, (fan_in, fan_out), dtype=jnp.float32, minval=-lim, maxval=lim)
    W1 = glorot(ks[2], F_IN, H)
    b1 = jnp.zeros((H,), dtype=jnp.float32)
    W2 = glorot(ks[3], H, H)
    b2 = jnp.zeros((H,), dtype=jnp.float32)
    W3 = glorot(ks[4], H, C)
    b3 = jnp.zeros((C,), dtype=jnp.float32)
    return {"x": x, "edge_index": edge_index, "W1": W1, "b1": b1, "W2": W2, "b2": b2, "W3": W3, "b3": b3}


def _gcn_conv(x, edge_index, W, b):
    # GCNConv: h = x @ W; add self-loops; symmetric normalization; scatter-add; + bias
    n = x.shape[0]
    h = x @ W
    loop = jnp.arange(n, dtype=edge_index.dtype)
    src = jnp.concatenate([edge_index[0], loop])
    dst = jnp.concatenate([edge_index[1], loop])
    ones = jnp.ones(src.shape[0], dtype=h.dtype)
    deg = jax.ops.segment_sum(ones, dst, num_segments=n)
    dinv = jnp.where(deg > 0, jax.lax.rsqrt(jnp.maximum(deg, 1e-12)), 0.0)
    norm = dinv[src] * dinv[dst]
    msg = h[src] * norm[:, None]
    out = jax.ops.segment_sum(msg, dst, num_segments=n)
    return out + b


def reference(x, edge_index, W1, b1, W2, b2, W3, b3):
    # eval mode: dropout is identity; returns pre-ReLU output of last conv (x1)
    h = x
    x1 = None
    for (W, b) in ((W1, b1), (W2, b2), (W3, b3)):
        x1 = _gcn_conv(h, edge_index, W, b)
        h = jax.nn.relu(x1)
    return x1

if __name__ == "__main__":
    import jax
    _d = setup_inputs()
    print(jax.jit(kernel)(*tuple(_d.values())))

</pallas_src>

<mosaic_0001>
#map = affine_map<(d0, d1) -> (0, 0)>
module attributes {stable_mosaic.version = 14 : i64} {
  func.func @k(%arg0: i32, %arg1: i32, %arg2: memref<20480x128xf32, #tpu.memory_space<hbm>>, %arg3: memref<5120x64xi32, #tpu.memory_space<hbm>>, %arg4: memref<2560x64xi32, #tpu.memory_space<hbm>>, %arg5: memref<64x128xf32, #tpu.memory_space<hbm>>, %arg6: memref<20480x128xf32, #tpu.memory_space<hbm>>, %arg7: memref<160x64xi32, #tpu.memory_space<vmem>>, %arg8: memref<160x64xi32, #tpu.memory_space<vmem>>, %arg9: memref<64x128xf32, #tpu.memory_space<vmem>>, %arg10: memref<64x128xf32, #tpu.memory_space<vmem>>, %arg11: memref<10240x128xf32, #tpu.memory_space<vmem_shared>>, %arg12: memref<!tpu.dma_semaphore, #tpu.memory_space<semaphore_mem>>, %arg13: memref<!tpu.dma_semaphore, #tpu.memory_space<semaphore_mem>>) attributes {dimension_semantics = [#tpu.dimension_semantics<core_parallel>, #tpu.dimension_semantics<subcore_parallel>], iteration_bounds = array<i64: 2, 16>, scalar_prefetch = 0 : i64, scratch_operands = 7 : i64, tpu.core_type = #tpu.core_type<sc_vector_subcore>, window_params = [{transform_indices = #map}, {transform_indices = #map}, {transform_indices = #map}, {transform_indices = #map}, {transform_indices = #map}]} {
    "tpu.region"() ({
      %run_scoped3A = tpu.sem_alloc : memref<!tpu.dma_semaphore, #tpu.memory_space<semaphore_mem>>
      tpu.enqueue_dma source(%arg5 : memref<64x128xf32, #tpu.memory_space<hbm>>) target(%arg9 : memref<64x128xf32, #tpu.memory_space<vmem>>) target_semaphore(%run_scoped3A : memref<!tpu.dma_semaphore, #tpu.memory_space<semaphore_mem>>)
      tpu.wait_dma2 semaphore(%run_scoped3A : memref<!tpu.dma_semaphore, #tpu.memory_space<semaphore_mem>>) src(%arg5 : memref<64x128xf32, #tpu.memory_space<hbm>>) dst(%arg9 : memref<64x128xf32, #tpu.memory_space<vmem>>)
      tpu.yield
    }) : () -> ()
    %scan3A = arith.constant 0 : i32
    %scan3A_0 = arith.constant 0 : i32
    %scan3A_1 = arith.constant 10 : i32
    %scan3A_2 = arith.addi %scan3A_0, %scan3A_1 : i32
    %scan3A_3 = arith.constant 1 : i32
    %scan3A_4 = scf.for %scan3A_38 = %scan3A_0 to %scan3A_2 step %scan3A_3 iter_args(%scan3A_39 = %scan3A) -> (i32)  : i32 {
      %mul3A_40 = arith.constant 640 : i32
      %mul3A_41 = arith.muli %arg1, %mul3A_40 : i32
      %mul3A_42 = arith.constant 64 : i32
      %mul3A_43 = arith.muli %scan3A_38, %mul3A_42 : i32
      %add3A_44 = arith.addi %mul3A_41, %mul3A_43 : i32
      "tpu.region"() ({
        %run_scoped3A = tpu.sem_alloc : memref<!tpu.dma_semaphore, #tpu.memory_space<semaphore_mem>>
        %dma_start3A_46 = arith.constant 0 : i32
        %dma_start3A_47 = tpu.memref_slice %arg11[%add3A_44, %dma_start3A_46] : memref<10240x128xf32, #tpu.memory_space<vmem_shared>> -> memref<64x128xf32, #tpu.memory_space<vmem_shared>>
        %dma_start3A_48 = arith.constant 0 : i32
        %dma_start3A_49 = tpu.memref_slice %arg11[%add3A_44, %dma_start3A_48] : memref<10240x128xf32, #tpu.memory_space<vmem_shared>> -> memref<64x128xf32, #tpu.memory_space<vmem_shared>>
        tpu.enqueue_dma source(%arg9 : memref<64x128xf32, #tpu.memory_space<vmem>>) target(%dma_start3A_49 : memref<64x128xf32, #tpu.memory_space<vmem_shared>>) target_semaphore(%run_scoped3A : memref<!tpu.dma_semaphore, #tpu.memory_space<semaphore_mem>>)
        %dma_wait3A_50 = arith.constant 0 : i32
        %dma_wait3A_51 = tpu.memref_slice %arg11[%add3A_44, %dma_wait3A_50] : memref<10240x128xf32, #tpu.memory_space<vmem_shared>> -> memref<64x128xf32, #tpu.memory_space<vmem_shared>>
        %dma_wait3A_52 = arith.constant 0 : i32
        %dma_wait3A_53 = tpu.memref_slice %arg11[%add3A_44, %dma_wait3A_52] : memref<10240x128xf32, #tpu.memory_space<vmem_shared>> -> memref<64x128xf32, #tpu.memory_space<vmem_shared>>
        tpu.wait_dma2 semaphore(%run_scoped3A : memref<!tpu.dma_semaphore, #tpu.memory_space<semaphore_mem>>) src(%arg9 : memref<64x128xf32, #tpu.memory_space<vmem>>) dst(%dma_wait3A_53 : memref<64x128xf32, #tpu.memory_space<vmem_shared>>)
        tpu.yield
      }) : () -> ()
      %scan3A_45 = arith.constant 0 : i32
      scf.yield %scan3A_45 : i32
    }
    %scan3A_5 = arith.constant 10 : i32
    %mul3A = arith.constant 160 : i32
    %mul3A_6 = arith.muli %arg1, %mul3A : i32
    %add3A = arith.constant 0 : i32
    %add3A_7 = arith.addi %mul3A_6, %add3A : i32
    %mul3A_8 = arith.constant 2560 : i32
    %mul3A_9 = arith.muli %arg0, %mul3A_8 : i32
    %add3A_10 = arith.addi %mul3A_9, %add3A_7 : i32
    "tpu.region"() ({
      %run_scoped3A = tpu.sem_alloc : memref<!tpu.dma_semaphore, #tpu.memory_space<semaphore_mem>>
      %dma_start3A_38 = arith.constant 0 : i32
      %dma_start3A_39 = tpu.memref_slice %arg3[%add3A_10, %dma_start3A_38] : memref<5120x64xi32, #tpu.memory_space<hbm>> -> memref<160x64xi32, #tpu.memory_space<hbm>>
      %dma_start3A_40 = arith.constant 0 : i32
      %dma_start3A_41 = tpu.memref_slice %arg3[%add3A_10, %dma_start3A_40] : memref<5120x64xi32, #tpu.memory_space<hbm>> -> memref<160x64xi32, #tpu.memory_space<hbm>>
      tpu.enqueue_dma source(%dma_start3A_41 : memref<160x64xi32, #tpu.memory_space<hbm>>) target(%arg7 : memref<160x64xi32, #tpu.memory_space<vmem>>) target_semaphore(%run_scoped3A : memref<!tpu.dma_semaphore, #tpu.memory_space<semaphore_mem>>)
      %dma_wait3A_42 = arith.constant 0 : i32
      %dma_wait3A_43 = tpu.memref_slice %arg3[%add3A_10, %dma_wait3A_42] : memref<5120x64xi32, #tpu.memory_space<hbm>> -> memref<160x64xi32, #tpu.memory_space<hbm>>
      %dma_wait3A_44 = arith.constant 0 : i32
      %dma_wait3A_45 = tpu.memref_slice %arg3[%add3A_10, %dma_wait3A_44] : memref<5120x64xi32, #tpu.memory_space<hbm>> -> memref<160x64xi32, #tpu.memory_space<hbm>>
      tpu.wait_dma2 semaphore(%run_scoped3A : memref<!tpu.dma_semaphore, #tpu.memory_space<semaphore_mem>>) src(%dma_wait3A_45 : memref<160x64xi32, #tpu.memory_space<hbm>>) dst(%arg7 : memref<160x64xi32, #tpu.memory_space<vmem>>)
      tpu.yield
    }) : () -> ()
    "tpu.region"() ({
      %run_scoped3A = tpu.sem_alloc : memref<!tpu.dma_semaphore, #tpu.memory_space<semaphore_mem>>
      %dma_start3A_38 = arith.constant 0 : i32
      %dma_start3A_39 = tpu.memref_slice %arg4[%add3A_7, %dma_start3A_38] : memref<2560x64xi32, #tpu.memory_space<hbm>> -> memref<160x64xi32, #tpu.memory_space<hbm>>
      %dma_start3A_40 = arith.constant 0 : i32
      %dma_start3A_41 = tpu.memref_slice %arg4[%add3A_7, %dma_start3A_40] : memref<2560x64xi32, #tpu.memory_space<hbm>> -> memref<160x64xi32, #tpu.memory_space<hbm>>
      tpu.enqueue_dma source(%dma_start3A_41 : memref<160x64xi32, #tpu.memory_space<hbm>>) target(%arg8 : memref<160x64xi32, #tpu.memory_space<vmem>>) target_semaphore(%run_scoped3A : memref<!tpu.dma_semaphore, #tpu.memory_space<semaphore_mem>>)
      %dma_wait3A_42 = arith.constant 0 : i32
      %dma_wait3A_43 = tpu.memref_slice %arg4[%add3A_7, %dma_wait3A_42] : memref<2560x64xi32, #tpu.memory_space<hbm>> -> memref<160x64xi32, #tpu.memory_space<hbm>>
      %dma_wait3A_44 = arith.constant 0 : i32
      %dma_wait3A_45 = tpu.memref_slice %arg4[%add3A_7, %dma_wait3A_44] : memref<2560x64xi32, #tpu.memory_space<hbm>> -> memref<160x64xi32, #tpu.memory_space<hbm>>
      tpu.wait_dma2 semaphore(%run_scoped3A : memref<!tpu.dma_semaphore, #tpu.memory_space<semaphore_mem>>) src(%dma_wait3A_45 : memref<160x64xi32, #tpu.memory_space<hbm>>) dst(%arg8 : memref<160x64xi32, #tpu.memory_space<vmem>>)
      tpu.yield
    }) : () -> ()
    %barrier3A = arith.constant 0 : index
    tpu.barrier barrier_id(%barrier3A)
    %dma_start3A = arith.constant 0 : i32
    %dma_start3A_11 = arith.constant 0 : i32
    %dma_start3A_12 = tpu.memref_slice %arg7[%dma_start3A, %dma_start3A_11] : memref<160x64xi32, #tpu.memory_space<vmem>> -> memref<1x64xi32, #tpu.memory_space<vmem>>
    %dma_start3A_13 = tpu.memref_squeeze %dma_start3A_12 : memref<1x64xi32, #tpu.memory_space<vmem>> -> memref<64xi32, #tpu.memory_space<vmem>>
    %dma_start3A_14 = arith.constant 0 : i32
    %dma_start3A_15 = arith.constant 0 : i32
    %dma_start3A_16 = tpu.memref_slice %arg2[%dma_start3A_14, %dma_start3A_15] : memref<20480x128xf32, #tpu.memory_space<hbm>> -> memref<20480x128xf32, #tpu.memory_space<hbm>>
    tpu.enqueue_indirect_dma source(%dma_start3A_16 : memref<20480x128xf32, #tpu.memory_space<hbm>>) target(%arg9 : memref<64x128xf32, #tpu.memory_space<vmem>>) offsets(%dma_start3A_13 : memref<64xi32, #tpu.memory_space<vmem>>) semaphore(%arg12 : memref<!tpu.dma_semaphore, #tpu.memory_space<semaphore_mem>>)
    %scan3A_17 = arith.constant 0 : i32
    %scan3A_18 = arith.constant 0 : i32
    %scan3A_19 = arith.constant 80 : i32
    %scan3A_20 = arith.addi %scan3A_18, %scan3A_19 : i32
    %scan3A_21 = arith.constant 1 : i32
    %scan3A_22 = scf.for %scan3A_38 = %scan3A_18 to %scan3A_20 step %scan3A_21 iter_args(%scan3A_39 = %scan3A_17) -> (i32)  : i32 {
      %mul3A_40 = arith.constant 2 : i32
      %mul3A_41 = arith.muli %mul3A_40, %scan3A_38 : i32
      %add3A_42 = arith.constant 1 : i32
      %add3A_43 = arith.addi %mul3A_41, %add3A_42 : i32
      %add3A_44 = arith.constant 2 : i32
      %add3A_45 = arith.addi %mul3A_41, %add3A_44 : i32
      %min3A = arith.constant 159 : i32
      %min3A_46 = arith.minsi %add3A_45, %min3A : i32
      %dma_start3A_47 = arith.constant 0 : i32
      %dma_start3A_48 = tpu.memref_slice %arg7[%add3A_43, %dma_start3A_47] : memref<160x64xi32, #tpu.memory_space<vmem>> -> memref<1x64xi32, #tpu.memory_space<vmem>>
      %dma_start3A_49 = tpu.memref_squeeze %dma_start3A_48 : memref<1x64xi32, #tpu.memory_space<vmem>> -> memref<64xi32, #tpu.memory_space<vmem>>
      %dma_start3A_50 = arith.constant 0 : i32
      %dma_start3A_51 = arith.constant 0 : i32
      %dma_start3A_52 = tpu.memref_slice %arg2[%dma_start3A_50, %dma_start3A_51] : memref<20480x128xf32, #tpu.memory_space<hbm>> -> memref<20480x128xf32, #tpu.memory_space<hbm>>
      tpu.enqueue_indirect_dma source(%dma_start3A_52 : memref<20480x128xf32, #tpu.memory_space<hbm>>) target(%arg10 : memref<64x128xf32, #tpu.memory_space<vmem>>) offsets(%dma_start3A_49 : memref<64xi32, #tpu.memory_space<vmem>>) semaphore(%arg13 : memref<!tpu.dma_semaphore, #tpu.memory_space<semaphore_mem>>)
      %dma_wait3A_53 = arith.constant 0 : i32
      %dma_wait3A_54 = tpu.memref_slice %arg7[%mul3A_41, %dma_wait3A_53] : memref<160x64xi32, #tpu.memory_space<vmem>> -> memref<1x64xi32, #tpu.memory_space<vmem>>
      %dma_wait3A_55 = tpu.memref_squeeze %dma_wait3A_54 : memref<1x64xi32, #tpu.memory_space<vmem>> -> memref<64xi32, #tpu.memory_space<vmem>>
      %dma_wait3A_56 = arith.constant 0 : i32
      %dma_wait3A_57 = arith.constant 0 : i32
      %dma_wait3A_58 = tpu.memref_slice %arg2[%dma_wait3A_56, %dma_wait3A_57] : memref<20480x128xf32, #tpu.memory_space<hbm>> -> memref<20480x128xf32, #tpu.memory_space<hbm>>
      tpu.wait_indirect_dma semaphore(%arg12 : memref<!tpu.dma_semaphore, #tpu.memory_space<semaphore_mem>>) src(%dma_wait3A_58 : memref<20480x128xf32, #tpu.memory_space<hbm>>) dst(%arg9 : memref<64x128xf32, #tpu.memory_space<vmem>>)
      "tpu.region"() ({
        %run_scoped3A = tpu.sem_alloc : memref<!tpu.dma_semaphore, #tpu.memory_space<semaphore_mem>>
        %dma_start3A_72 = arith.constant 0 : i32
        %dma_start3A_73 = tpu.memref_slice %arg8[%mul3A_41, %dma_start3A_72] : memref<160x64xi32, #tpu.memory_space<vmem>> -> memref<1x64xi32, #tpu.memory_space<vmem>>
        %dma_start3A_74 = tpu.memref_squeeze %dma_start3A_73 : memref<1x64xi32, #tpu.memory_space<vmem>> -> memref<64xi32, #tpu.memory_space<vmem>>
        %dma_start3A_75 = arith.constant 0 : i32
        %dma_start3A_76 = arith.constant 0 : i32
        %dma_start3A_77 = tpu.memref_slice %arg11[%dma_start3A_75, %dma_start3A_76] : memref<10240x128xf32, #tpu.memory_space<vmem_shared>> -> memref<10240x128xf32, #tpu.memory_space<vmem_shared>>
        tpu.enqueue_indirect_dma source(%arg9 : memref<64x128xf32, #tpu.memory_space<vmem>>) target(%dma_start3A_77 : memref<10240x128xf32, #tpu.memory_space<vmem_shared>>) offsets(%dma_start3A_74 : memref<64xi32, #tpu.memory_space<vmem>>) semaphore(%run_scoped3A : memref<!tpu.dma_semaphore, #tpu.memory_space<semaphore_mem>>) {add = true}
        %dma_wait3A_78 = arith.constant 0 : i32
        %dma_wait3A_79 = tpu.memref_slice %arg8[%mul3A_41, %dma_wait3A_78] : memref<160x64xi32, #tpu.memory_space<vmem>> -> memref<1x64xi32, #tpu.memory_space<vmem>>
        %dma_wait3A_80 = tpu.memref_squeeze %dma_wait3A_79 : memref<1x64xi32, #tpu.memory_space<vmem>> -> memref<64xi32, #tpu.memory_space<vmem>>
        %dma_wait3A_81 = arith.constant 0 : i32
        %dma_wait3A_82 = arith.constant 0 : i32
        %dma_wait3A_83 = tpu.memref_slice %arg11[%dma_wait3A_81, %dma_wait3A_82] : memref<10240x128xf32, #tpu.memory_space<vmem_shared>> -> memref<10240x128xf32, #tpu.memory_space<vmem_shared>>
        tpu.wait_indirect_dma semaphore(%run_scoped3A : memref<!tpu.dma_semaphore, #tpu.memory_space<semaphore_mem>>) src(%arg9 : memref<64x128xf32, #tpu.memory_space<vmem>>) dst(%dma_wait3A_83 : memref<10240x128xf32, #tpu.memory_space<vmem_shared>>)
        tpu.yield
      }) : () -> ()
      %dma_start3A_59 = arith.constant 0 : i32
      %dma_start3A_60 = tpu.memref_slice %arg7[%min3A_46, %dma_start3A_59] : memref<160x64xi32, #tpu.memory_space<vmem>> -> memref<1x64xi32, #tpu.memory_space<vmem>>
      %dma_start3A_61 = tpu.memref_squeeze %dma_start3A_60 : memref<1x64xi32, #tpu.memory_space<vmem>> -> memref<64xi32, #tpu.memory_space<vmem>>
      %dma_start3A_62 = arith.constant 0 : i32
      %dma_start3A_63 = arith.constant 0 : i32
      %dma_start3A_64 = tpu.memref_slice %arg2[%dma_start3A_62, %dma_start3A_63] : memref<20480x128xf32, #tpu.memory_space<hbm>> -> memref<20480x128xf32, #tpu.memory_space<hbm>>
      tpu.enqueue_indirect_dma source(%dma_start3A_64 : memref<20480x128xf32, #tpu.memory_space<hbm>>) target(%arg9 : memref<64x128xf32, #tpu.memory_space<vmem>>) offsets(%dma_start3A_61 : memref<64xi32, #tpu.memory_space<vmem>>) semaphore(%arg12 : memref<!tpu.dma_semaphore, #tpu.memory_space<semaphore_mem>>)
      %dma_wait3A_65 = arith.constant 0 : i32
      %dma_wait3A_66 = tpu.memref_slice %arg7[%add3A_43, %dma_wait3A_65] : memref<160x64xi32, #tpu.memory_space<vmem>> -> memref<1x64xi32, #tpu.memory_space<vmem>>
      %dma_wait3A_67 = tpu.memref_squeeze %dma_wait3A_66 : memref<1x64xi32, #tpu.memory_space<vmem>> -> memref<64xi32, #tpu.memory_space<vmem>>
      %dma_wait3A_68 = arith.constant 0 : i32
      %dma_wait3A_69 = arith.constant 0 : i32
      %dma_wait3A_70 = tpu.memref_slice %arg2[%dma_wait3A_68, %dma_wait3A_69] : memref<20480x128xf32, #tpu.memory_space<hbm>> -> memref<20480x128xf32, #tpu.memory_space<hbm>>
      tpu.wait_indirect_dma semaphore(%arg13 : memref<!tpu.dma_semaphore, #tpu.memory_space<semaphore_mem>>) src(%dma_wait3A_70 : memref<20480x128xf32, #tpu.memory_space<hbm>>) dst(%arg10 : memref<64x128xf32, #tpu.memory_space<vmem>>)
      "tpu.region"() ({
        %run_scoped3A = tpu.sem_alloc : memref<!tpu.dma_semaphore, #tpu.memory_space<semaphore_mem>>
        %dma_start3A_72 = arith.constant 0 : i32
        %dma_start3A_73 = tpu.memref_slice %arg8[%add3A_43, %dma_start3A_72] : memref<160x64xi32, #tpu.memory_space<vmem>> -> memref<1x64xi32, #tpu.memory_space<vmem>>
        %dma_start3A_74 = tpu.memref_squeeze %dma_start3A_73 : memref<1x64xi32, #tpu.memory_space<vmem>> -> memref<64xi32, #tpu.memory_space<vmem>>
        %dma_start3A_75 = arith.constant 0 : i32
        %dma_start3A_76 = arith.constant 0 : i32
        %dma_start3A_77 = tpu.memref_slice %arg11[%dma_start3A_75, %dma_start3A_76] : memref<10240x128xf32, #tpu.memory_space<vmem_shared>> -> memref<10240x128xf32, #tpu.memory_space<vmem_shared>>
        tpu.enqueue_indirect_dma source(%arg10 : memref<64x128xf32, #tpu.memory_space<vmem>>) target(%dma_start3A_77 : memref<10240x128xf32, #tpu.memory_space<vmem_shared>>) offsets(%dma_start3A_74 : memref<64xi32, #tpu.memory_space<vmem>>) semaphore(%run_scoped3A : memref<!tpu.dma_semaphore, #tpu.memory_space<semaphore_mem>>) {add = true}
        %dma_wait3A_78 = arith.constant 0 : i32
        %dma_wait3A_79 = tpu.memref_slice %arg8[%add3A_43, %dma_wait3A_78] : memref<160x64xi32, #tpu.memory_space<vmem>> -> memref<1x64xi32, #tpu.memory_space<vmem>>
        %dma_wait3A_80 = tpu.memref_squeeze %dma_wait3A_79 : memref<1x64xi32, #tpu.memory_space<vmem>> -> memref<64xi32, #tpu.memory_space<vmem>>
        %dma_wait3A_81 = arith.constant 0 : i32
        %dma_wait3A_82 = arith.constant 0 : i32
        %dma_wait3A_83 = tpu.memref_slice %arg11[%dma_wait3A_81, %dma_wait3A_82] : memref<10240x128xf32, #tpu.memory_space<vmem_shared>> -> memref<10240x128xf32, #tpu.memory_space<vmem_shared>>
        tpu.wait_indirect_dma semaphore(%run_scoped3A : memref<!tpu.dma_semaphore, #tpu.memory_space<semaphore_mem>>) src(%arg10 : memref<64x128xf32, #tpu.memory_space<vmem>>) dst(%dma_wait3A_83 : memref<10240x128xf32, #tpu.memory_space<vmem_shared>>)
        tpu.yield
      }) : () -> ()
      %scan3A_71 = arith.constant 0 : i32
      scf.yield %scan3A_71 : i32
    }
    %scan3A_23 = arith.constant 80 : i32
    %dma_wait3A = arith.constant 159 : i32
    %dma_wait3A_24 = arith.constant 0 : i32
    %dma_wait3A_25 = tpu.memref_slice %arg7[%dma_wait3A, %dma_wait3A_24] : memref<160x64xi32, #tpu.memory_space<vmem>> -> memref<1x64xi32, #tpu.memory_space<vmem>>
    %dma_wait3A_26 = tpu.memref_squeeze %dma_wait3A_25 : memref<1x64xi32, #tpu.memory_space<vmem>> -> memref<64xi32, #tpu.memory_space<vmem>>
    %dma_wait3A_27 = arith.constant 0 : i32
    %dma_wait3A_28 = arith.constant 0 : i32
    %dma_wait3A_29 = tpu.memref_slice %arg2[%dma_wait3A_27, %dma_wait3A_28] : memref<20480x128xf32, #tpu.memory_space<hbm>> -> memref<20480x128xf32, #tpu.memory_space<hbm>>
    tpu.wait_indirect_dma semaphore(%arg12 : memref<!tpu.dma_semaphore, #tpu.memory_space<semaphore_mem>>) src(%dma_wait3A_29 : memref<20480x128xf32, #tpu.memory_space<hbm>>) dst(%arg9 : memref<64x128xf32, #tpu.memory_space<vmem>>)
    %barrier3A_30 = arith.constant 0 : index
    tpu.barrier barrier_id(%barrier3A_30)
    %mul3A_31 = arith.constant 640 : i32
    %mul3A_32 = arith.muli %arg1, %mul3A_31 : i32
    %mul3A_33 = arith.constant 10240 : i32
    %mul3A_34 = arith.muli %arg0, %mul3A_33 : i32
    %mul3A_35 = arith.constant 640 : i32
    %mul3A_36 = arith.muli %arg1, %mul3A_35 : i32
    %add3A_37 = arith.addi %mul3A_34, %mul3A_36 : i32
    "tpu.region"() ({
      %run_scoped3A = tpu.sem_alloc : memref<!tpu.dma_semaphore, #tpu.memory_space<semaphore_mem>>
      %dma_start3A_38 = arith.constant 0 : i32
      %dma_start3A_39 = tpu.memref_slice %arg6[%add3A_37, %dma_start3A_38] : memref<20480x128xf32, #tpu.memory_space<hbm>> -> memref<640x128xf32, #tpu.memory_space<hbm>>
      %dma_start3A_40 = arith.constant 0 : i32
      %dma_start3A_41 = tpu.memref_slice %arg11[%mul3A_32, %dma_start3A_40] : memref<10240x128xf32, #tpu.memory_space<vmem_shared>> -> memref<640x128xf32, #tpu.memory_space<vmem_shared>>
      tpu.enqueue_dma source(%dma_start3A_41 : memref<640x128xf32, #tpu.memory_space<vmem_shared>>) target(%dma_start3A_39 : memref<640x128xf32, #tpu.memory_space<hbm>>) target_semaphore(%run_scoped3A : memref<!tpu.dma_semaphore, #tpu.memory_space<semaphore_mem>>)
      %dma_wait3A_42 = arith.constant 0 : i32
      %dma_wait3A_43 = tpu.memref_slice %arg6[%add3A_37, %dma_wait3A_42] : memref<20480x128xf32, #tpu.memory_space<hbm>> -> memref<640x128xf32, #tpu.memory_space<hbm>>
      %dma_wait3A_44 = arith.constant 0 : i32
      %dma_wait3A_45 = tpu.memref_slice %arg11[%mul3A_32, %dma_wait3A_44] : memref<10240x128xf32, #tpu.memory_space<vmem_shared>> -> memref<640x128xf32, #tpu.memory_space<vmem_shared>>
      tpu.wait_dma2 semaphore(%run_scoped3A : memref<!tpu.dma_semaphore, #tpu.memory_space<semaphore_mem>>) src(%dma_wait3A_45 : memref<640x128xf32, #tpu.memory_space<vmem_shared>>) dst(%dma_wait3A_43 : memref<640x128xf32, #tpu.memory_space<hbm>>)
      tpu.yield
    }) : () -> ()
    return
  }
}

#map = affine_map<(d0, d1) -> (0, 0)>
module attributes {stable_mosaic.version = 14 : i64} {
  func.func @k(%arg0: i32, %arg1: i32, %arg2: memref<20480x128xf32, #tpu.memory_space<hbm>>, %arg3: memref<5120x64xi32, #tpu.memory_space<hbm>>, %arg4: memref<2560x64xi32, #tpu.memory_space<hbm>>, %arg5: memref<64x128xf32, #tpu.memory_space<hbm>>, %arg6: memref<20480x128xf32, #tpu.memory_space<hbm>>, %arg7: memref<160x64xi32, #tpu.memory_space<vmem>>, %arg8: memref<160x64xi32, #tpu.memory_space<vmem>>, %arg9: memref<64x128xf32, #tpu.memory_space<vmem>>, %arg10: memref<64x128xf32, #tpu.memory_space<vmem>>, %arg11: memref<10240x128xf32, #tpu.memory_space<vmem_shared>>, %arg12: memref<!tpu.dma_semaphore, #tpu.memory_space<semaphore_mem>>, %arg13: memref<!tpu.dma_semaphore, #tpu.memory_space<semaphore_mem>>) attributes {dimension_semantics = [#tpu.dimension_semantics<core_parallel>, #tpu.dimension_semantics<subcore_parallel>], iteration_bounds = array<i64: 2, 16>, scalar_prefetch = 0 : i64, scratch_operands = 7 : i64, tpu.core_type = #tpu.core_type<sc_vector_subcore>, window_params = [{transform_indices = #map}, {transform_indices = #map}, {transform_indices = #map}, {transform_indices = #map}, {transform_indices = #map}]} {
    "tpu.region"() ({
      %run_scoped3A = tpu.sem_alloc : memref<!tpu.dma_semaphore, #tpu.memory_space<semaphore_mem>>
      tpu.enqueue_dma source(%arg5 : memref<64x128xf32, #tpu.memory_space<hbm>>) target(%arg9 : memref<64x128xf32, #tpu.memory_space<vmem>>) target_semaphore(%run_scoped3A : memref<!tpu.dma_semaphore, #tpu.memory_space<semaphore_mem>>)
      tpu.wait_dma2 semaphore(%run_scoped3A : memref<!tpu.dma_semaphore, #tpu.memory_space<semaphore_mem>>) src(%arg5 : memref<64x128xf32, #tpu.memory_space<hbm>>) dst(%arg9 : memref<64x128xf32, #tpu.memory_space<vmem>>)
      tpu.yield
    }) : () -> ()
    %scan3A = arith.constant 0 : i32
    %scan3A_0 = arith.constant 0 : i32
    %scan3A_1 = arith.constant 10 : i32
    %scan3A_2 = arith.addi %scan3A_0, %scan3A_1 : i32
    %scan3A_3 = arith.constant 1 : i32
    %scan3A_4 = scf.for %scan3A_38 = %scan3A_0 to %scan3A_2 step %scan3A_3 iter_args(%scan3A_39 = %scan3A) -> (i32)  : i32 {
      %mul3A_40 = arith.constant 640 : i32
      %mul3A_41 = arith.muli %arg1, %mul3A_40 : i32
      %mul3A_42 = arith.constant 64 : i32
      %mul3A_43 = arith.muli %scan3A_38, %mul3A_42 : i32
      %add3A_44 = arith.addi %mul3A_41, %mul3A_43 : i32
      "tpu.region"() ({
        %run_scoped3A = tpu.sem_alloc : memref<!tpu.dma_semaphore, #tpu.memory_space<semaphore_mem>>
        %dma_start3A_46 = arith.constant 0 : i32
        %dma_start3A_47 = tpu.memref_slice %arg11[%add3A_44, %dma_start3A_46] : memref<10240x128xf32, #tpu.memory_space<vmem_shared>> -> memref<64x128xf32, #tpu.memory_space<vmem_shared>>
        %dma_start3A_48 = arith.constant 0 : i32
        %dma_start3A_49 = tpu.memref_slice %arg11[%add3A_44, %dma_start3A_48] : memref<10240x128xf32, #tpu.memory_space<vmem_shared>> -> memref<64x128xf32, #tpu.memory_space<vmem_shared>>
        tpu.enqueue_dma source(%arg9 : memref<64x128xf32, #tpu.memory_space<vmem>>) target(%dma_start3A_49 : memref<64x128xf32, #tpu.memory_space<vmem_shared>>) target_semaphore(%run_scoped3A : memref<!tpu.dma_semaphore, #tpu.memory_space<semaphore_mem>>)
        %dma_wait3A_50 = arith.constant 0 : i32
        %dma_wait3A_51 = tpu.memref_slice %arg11[%add3A_44, %dma_wait3A_50] : memref<10240x128xf32, #tpu.memory_space<vmem_shared>> -> memref<64x128xf32, #tpu.memory_space<vmem_shared>>
        %dma_wait3A_52 = arith.constant 0 : i32
        %dma_wait3A_53 = tpu.memref_slice %arg11[%add3A_44, %dma_wait3A_52] : memref<10240x128xf32, #tpu.memory_space<vmem_shared>> -> memref<64x128xf32, #tpu.memory_space<vmem_shared>>
        tpu.wait_dma2 semaphore(%run_scoped3A : memref<!tpu.dma_semaphore, #tpu.memory_space<semaphore_mem>>) src(%arg9 : memref<64x128xf32, #tpu.memory_space<vmem>>) dst(%dma_wait3A_53 : memref<64x128xf32, #tpu.memory_space<vmem_shared>>)
        tpu.yield
      }) : () -> ()
      %scan3A_45 = arith.constant 0 : i32
      scf.yield %scan3A_45 : i32
    }
    %scan3A_5 = arith.constant 10 : i32
    %mul3A = arith.constant 160 : i32
    %mul3A_6 = arith.muli %arg1, %mul3A : i32
    %add3A = arith.constant 0 : i32
    %add3A_7 = arith.addi %mul3A_6, %add3A : i32
    %mul3A_8 = arith.constant 2560 : i32
    %mul3A_9 = arith.muli %arg0, %mul3A_8 : i32
    %add3A_10 = arith.addi %mul3A_9, %add3A_7 : i32
    "tpu.region"() ({
      %run_scoped3A = tpu.sem_alloc : memref<!tpu.dma_semaphore, #tpu.memory_space<semaphore_mem>>
      %dma_start3A_38 = arith.constant 0 : i32
      %dma_start3A_39 = tpu.memref_slice %arg3[%add3A_10, %dma_start3A_38] : memref<5120x64xi32, #tpu.memory_space<hbm>> -> memref<160x64xi32, #tpu.memory_space<hbm>>
      %dma_start3A_40 = arith.constant 0 : i32
      %dma_start3A_41 = tpu.memref_slice %arg3[%add3A_10, %dma_start3A_40] : memref<5120x64xi32, #tpu.memory_space<hbm>> -> memref<160x64xi32, #tpu.memory_space<hbm>>
      tpu.enqueue_dma source(%dma_start3A_41 : memref<160x64xi32, #tpu.memory_space<hbm>>) target(%arg7 : memref<160x64xi32, #tpu.memory_space<vmem>>) target_semaphore(%run_scoped3A : memref<!tpu.dma_semaphore, #tpu.memory_space<semaphore_mem>>)
      %dma_wait3A_42 = arith.constant 0 : i32
      %dma_wait3A_43 = tpu.memref_slice %arg3[%add3A_10, %dma_wait3A_42] : memref<5120x64xi32, #tpu.memory_space<hbm>> -> memref<160x64xi32, #tpu.memory_space<hbm>>
      %dma_wait3A_44 = arith.constant 0 : i32
      %dma_wait3A_45 = tpu.memref_slice %arg3[%add3A_10, %dma_wait3A_44] : memref<5120x64xi32, #tpu.memory_space<hbm>> -> memref<160x64xi32, #tpu.memory_space<hbm>>
      tpu.wait_dma2 semaphore(%run_scoped3A : memref<!tpu.dma_semaphore, #tpu.memory_space<semaphore_mem>>) src(%dma_wait3A_45 : memref<160x64xi32, #tpu.memory_space<hbm>>) dst(%arg7 : memref<160x64xi32, #tpu.memory_space<vmem>>)
      tpu.yield
    }) : () -> ()
    "tpu.region"() ({
      %run_scoped3A = tpu.sem_alloc : memref<!tpu.dma_semaphore, #tpu.memory_space<semaphore_mem>>
      %dma_start3A_38 = arith.constant 0 : i32
      %dma_start3A_39 = tpu.memref_slice %arg4[%add3A_7, %dma_start3A_38] : memref<2560x64xi32, #tpu.memory_space<hbm>> -> memref<160x64xi32, #tpu.memory_space<hbm>>
      %dma_start3A_40 = arith.constant 0 : i32
      %dma_start3A_41 = tpu.memref_slice %arg4[%add3A_7, %dma_start3A_40] : memref<2560x64xi32, #tpu.memory_space<hbm>> -> memref<160x64xi32, #tpu.memory_space<hbm>>
      tpu.enqueue_dma source(%dma_start3A_41 : memref<160x64xi32, #tpu.memory_space<hbm>>) target(%arg8 : memref<160x64xi32, #tpu.memory_space<vmem>>) target_semaphore(%run_scoped3A : memref<!tpu.dma_semaphore, #tpu.memory_space<semaphore_mem>>)
      %dma_wait3A_42 = arith.constant 0 : i32
      %dma_wait3A_43 = tpu.memref_slice %arg4[%add3A_7, %dma_wait3A_42] : memref<2560x64xi32, #tpu.memory_space<hbm>> -> memref<160x64xi32, #tpu.memory_space<hbm>>
      %dma_wait3A_44 = arith.constant 0 : i32
      %dma_wait3A_45 = tpu.memref_slice %arg4[%add3A_7, %dma_wait3A_44] : memref<2560x64xi32, #tpu.memory_space<hbm>> -> memref<160x64xi32, #tpu.memory_space<hbm>>
      tpu.wait_dma2 semaphore(%run_scoped3A : memref<!tpu.dma_semaphore, #tpu.memory_space<semaphore_mem>>) src(%dma_wait3A_45 : memref<160x64xi32, #tpu.memory_space<hbm>>) dst(%arg8 : memref<160x64xi32, #tpu.memory_space<vmem>>)
      tpu.yield
    }) : () -> ()
    %barrier3A = arith.constant 0 : index
    tpu.barrier barrier_id(%barrier3A)
    %dma_start3A = arith.constant 0 : i32
    %dma_start3A_11 = arith.constant 0 : i32
    %dma_start3A_12 = tpu.memref_slice %arg7[%dma_start3A, %dma_start3A_11] : memref<160x64xi32, #tpu.memory_space<vmem>> -> memref<1x64xi32, #tpu.memory_space<vmem>>
    %dma_start3A_13 = tpu.memref_squeeze %dma_start3A_12 : memref<1x64xi32, #tpu.memory_space<vmem>> -> memref<64xi32, #tpu.memory_space<vmem>>
    %dma_start3A_14 = arith.constant 0 : i32
    %dma_start3A_15 = arith.constant 0 : i32
    %dma_start3A_16 = tpu.memref_slice %arg2[%dma_start3A_14, %dma_start3A_15] : memref<20480x128xf32, #tpu.memory_space<hbm>> -> memref<20480x128xf32, #tpu.memory_space<hbm>>
    tpu.enqueue_indirect_dma source(%dma_start3A_16 : memref<20480x128xf32, #tpu.memory_space<hbm>>) target(%arg9 : memref<64x128xf32, #tpu.memory_space<vmem>>) offsets(%dma_start3A_13 : memref<64xi32, #tpu.memory_space<vmem>>) semaphore(%arg12 : memref<!tpu.dma_semaphore, #tpu.memory_space<semaphore_mem>>)
    %scan3A_17 = arith.constant 0 : i32
    %scan3A_18 = arith.constant 0 : i32
    %scan3A_19 = arith.constant 80 : i32
    %scan3A_20 = arith.addi %scan3A_18, %scan3A_19 : i32
    %scan3A_21 = arith.constant 1 : i32
    %scan3A_22 = scf.for %scan3A_38 = %scan3A_18 to %scan3A_20 step %scan3A_21 iter_args(%scan3A_39 = %scan3A_17) -> (i32)  : i32 {
      %mul3A_40 = arith.constant 2 : i32
      %mul3A_41 = arith.muli %mul3A_40, %scan3A_38 : i32
      %add3A_42 = arith.constant 1 : i32
      %add3A_43 = arith.addi %mul3A_41, %add3A_42 : i32
      %add3A_44 = arith.constant 2 : i32
      %add3A_45 = arith.addi %mul3A_41, %add3A_44 : i32
      %min3A = arith.constant 159 : i32
      %min3A_46 = arith.minsi %add3A_45, %min3A : i32
      %dma_start3A_47 = arith.constant 0 : i32
      %dma_start3A_48 = tpu.memref_slice %arg7[%add3A_43, %dma_start3A_47] : memref<160x64xi32, #tpu.memory_space<vmem>> -> memref<1x64xi32, #tpu.memory_space<vmem>>
      %dma_start3A_49 = tpu.memref_squeeze %dma_start3A_48 : memref<1x64xi32, #tpu.memory_space<vmem>> -> memref<64xi32, #tpu.memory_space<vmem>>
      %dma_start3A_50 = arith.constant 0 : i32
      %dma_start3A_51 = arith.constant 0 : i32
      %dma_start3A_52 = tpu.memref_slice %arg2[%dma_start3A_50, %dma_start3A_51] : memref<20480x128xf32, #tpu.memory_space<hbm>> -> memref<20480x128xf32, #tpu.memory_space<hbm>>
      tpu.enqueue_indirect_dma source(%dma_start3A_52 : memref<20480x128xf32, #tpu.memory_space<hbm>>) target(%arg10 : memref<64x128xf32, #tpu.memory_space<vmem>>) offsets(%dma_start3A_49 : memref<64xi32, #tpu.memory_space<vmem>>) semaphore(%arg13 : memref<!tpu.dma_semaphore, #tpu.memory_space<semaphore_mem>>)
      %dma_wait3A_53 = arith.constant 0 : i32
      %dma_wait3A_54 = tpu.memref_slice %arg7[%mul3A_41, %dma_wait3A_53] : memref<160x64xi32, #tpu.memory_space<vmem>> -> memref<1x64xi32, #tpu.memory_space<vmem>>
      %dma_wait3A_55 = tpu.memref_squeeze %dma_wait3A_54 : memref<1x64xi32, #tpu.memory_space<vmem>> -> memref<64xi32, #tpu.memory_space<vmem>>
      %dma_wait3A_56 = arith.constant 0 : i32
      %dma_wait3A_57 = arith.constant 0 : i32
      %dma_wait3A_58 = tpu.memref_slice %arg2[%dma_wait3A_56, %dma_wait3A_57] : memref<20480x128xf32, #tpu.memory_space<hbm>> -> memref<20480x128xf32, #tpu.memory_space<hbm>>
      tpu.wait_indirect_dma semaphore(%arg12 : memref<!tpu.dma_semaphore, #tpu.memory_space<semaphore_mem>>) src(%dma_wait3A_58 : memref<20480x128xf32, #tpu.memory_space<hbm>>) dst(%arg9 : memref<64x128xf32, #tpu.memory_space<vmem>>)
      "tpu.region"() ({
        %run_scoped3A = tpu.sem_alloc : memref<!tpu.dma_semaphore, #tpu.memory_space<semaphore_mem>>
        %dma_start3A_72 = arith.constant 0 : i32
        %dma_start3A_73 = tpu.memref_slice %arg8[%mul3A_41, %dma_start3A_72] : memref<160x64xi32, #tpu.memory_space<vmem>> -> memref<1x64xi32, #tpu.memory_space<vmem>>
        %dma_start3A_74 = tpu.memref_squeeze %dma_start3A_73 : memref<1x64xi32, #tpu.memory_space<vmem>> -> memref<64xi32, #tpu.memory_space<vmem>>
        %dma_start3A_75 = arith.constant 0 : i32
        %dma_start3A_76 = arith.constant 0 : i32
        %dma_start3A_77 = tpu.memref_slice %arg11[%dma_start3A_75, %dma_start3A_76] : memref<10240x128xf32, #tpu.memory_space<vmem_shared>> -> memref<10240x128xf32, #tpu.memory_space<vmem_shared>>
        tpu.enqueue_indirect_dma source(%arg9 : memref<64x128xf32, #tpu.memory_space<vmem>>) target(%dma_start3A_77 : memref<10240x128xf32, #tpu.memory_space<vmem_shared>>) offsets(%dma_start3A_74 : memref<64xi32, #tpu.memory_space<vmem>>) semaphore(%run_scoped3A : memref<!tpu.dma_semaphore, #tpu.memory_space<semaphore_mem>>) {add = true}
        %dma_wait3A_78 = arith.constant 0 : i32
        %dma_wait3A_79 = tpu.memref_slice %arg8[%mul3A_41, %dma_wait3A_78] : memref<160x64xi32, #tpu.memory_space<vmem>> -> memref<1x64xi32, #tpu.memory_space<vmem>>
        %dma_wait3A_80 = tpu.memref_squeeze %dma_wait3A_79 : memref<1x64xi32, #tpu.memory_space<vmem>> -> memref<64xi32, #tpu.memory_space<vmem>>
        %dma_wait3A_81 = arith.constant 0 : i32
        %dma_wait3A_82 = arith.constant 0 : i32
        %dma_wait3A_83 = tpu.memref_slice %arg11[%dma_wait3A_81, %dma_wait3A_82] : memref<10240x128xf32, #tpu.memory_space<vmem_shared>> -> memref<10240x128xf32, #tpu.memory_space<vmem_shared>>
        tpu.wait_indirect_dma semaphore(%run_scoped3A : memref<!tpu.dma_semaphore, #tpu.memory_space<semaphore_mem>>) src(%arg9 : memref<64x128xf32, #tpu.memory_space<vmem>>) dst(%dma_wait3A_83 : memref<10240x128xf32, #tpu.memory_space<vmem_shared>>)
        tpu.yield
      }) : () -> ()
      %dma_start3A_59 = arith.constant 0 : i32
      %dma_start3A_60 = tpu.memref_slice %arg7[%min3A_46, %dma_start3A_59] : memref<160x64xi32, #tpu.memory_space<vmem>> -> memref<1x64xi32, #tpu.memory_space<vmem>>
      %dma_start3A_61 = tpu.memref_squeeze %dma_start3A_60 : memref<1x64xi32, #tpu.memory_space<vmem>> -> memref<64xi32, #tpu.memory_space<vmem>>
      %dma_start3A_62 = arith.constant 0 : i32
      %dma_start3A_63 = arith.constant 0 : i32
      %dma_start3A_64 = tpu.memref_slice %arg2[%dma_start3A_62, %dma_start3A_63] : memref<20480x128xf32, #tpu.memory_space<hbm>> -> memref<20480x128xf32, #tpu.memory_space<hbm>>
      tpu.enqueue_indirect_dma source(%dma_start3A_64 : memref<20480x128xf32, #tpu.memory_space<hbm>>) target(%arg9 : memref<64x128xf32, #tpu.memory_space<vmem>>) offsets(%dma_start3A_61 : memref<64xi32, #tpu.memory_space<vmem>>) semaphore(%arg12 : memref<!tpu.dma_semaphore, #tpu.memory_space<semaphore_mem>>)
      %dma_wait3A_65 = arith.constant 0 : i32
      %dma_wait3A_66 = tpu.memref_slice %arg7[%add3A_43, %dma_wait3A_65] : memref<160x64xi32, #tpu.memory_space<vmem>> -> memref<1x64xi32, #tpu.memory_space<vmem>>
      %dma_wait3A_67 = tpu.memref_squeeze %dma_wait3A_66 : memref<1x64xi32, #tpu.memory_space<vmem>> -> memref<64xi32, #tpu.memory_space<vmem>>
      %dma_wait3A_68 = arith.constant 0 : i32
      %dma_wait3A_69 = arith.constant 0 : i32
      %dma_wait3A_70 = tpu.memref_slice %arg2[%dma_wait3A_68, %dma_wait3A_69] : memref<20480x128xf32, #tpu.memory_space<hbm>> -> memref<20480x128xf32, #tpu.memory_space<hbm>>
      tpu.wait_indirect_dma semaphore(%arg13 : memref<!tpu.dma_semaphore, #tpu.memory_space<semaphore_mem>>) src(%dma_wait3A_70 : memref<20480x128xf32, #tpu.memory_space<hbm>>) dst(%arg10 : memref<64x128xf32, #tpu.memory_space<vmem>>)
      "tpu.region"() ({
        %run_scoped3A = tpu.sem_alloc : memref<!tpu.dma_semaphore, #tpu.memory_space<semaphore_mem>>
        %dma_start3A_72 = arith.constant 0 : i32
        %dma_start3A_73 = tpu.memref_slice %arg8[%add3A_43, %dma_start3A_72] : memref<160x64xi32, #tpu.memory_space<vmem>> -> memref<1x64xi32, #tpu.memory_space<vmem>>
        %dma_start3A_74 = tpu.memref_squeeze %dma_start3A_73 : memref<1x64xi32, #tpu.memory_space<vmem>> -> memref<64xi32, #tpu.memory_space<vmem>>
        %dma_start3A_75 = arith.constant 0 : i32
        %dma_start3A_76 = arith.constant 0 : i32
        %dma_start3A_77 = tpu.memref_slice %arg11[%dma_start3A_75, %dma_start3A_76] : memref<10240x128xf32, #tpu.memory_space<vmem_shared>> -> memref<10240x128xf32, #tpu.memory_space<vmem_shared>>
        tpu.enqueue_indirect_dma source(%arg10 : memref<64x128xf32, #tpu.memory_space<vmem>>) target(%dma_start3A_77 : memref<10240x128xf32, #tpu.memory_space<vmem_shared>>) offsets(%dma_start3A_74 : memref<64xi32, #tpu.memory_space<vmem>>) semaphore(%run_scoped3A : memref<!tpu.dma_semaphore, #tpu.memory_space<semaphore_mem>>) {add = true}
        %dma_wait3A_78 = arith.constant 0 : i32
        %dma_wait3A_79 = tpu.memref_slice %arg8[%add3A_43, %dma_wait3A_78] : memref<160x64xi32, #tpu.memory_space<vmem>> -> memref<1x64xi32, #tpu.memory_space<vmem>>
        %dma_wait3A_80 = tpu.memref_squeeze %dma_wait3A_79 : memref<1x64xi32, #tpu.memory_space<vmem>> -> memref<64xi32, #tpu.memory_space<vmem>>
        %dma_wait3A_81 = arith.constant 0 : i32
        %dma_wait3A_82 = arith.constant 0 : i32
        %dma_wait3A_83 = tpu.memref_slice %arg11[%dma_wait3A_81, %dma_wait3A_82] : memref<10240x128xf32, #tpu.memory_space<vmem_shared>> -> memref<10240x128xf32, #tpu.memory_space<vmem_shared>>
        tpu.wait_indirect_dma semaphore(%run_scoped3A : memref<!tpu.dma_semaphore, #tpu.memory_space<semaphore_mem>>) src(%arg10 : memref<64x128xf32, #tpu.memory_space<vmem>>) dst(%dma_wait3A_83 : memref<10240x128xf32, #tpu.memory_space<vmem_shared>>)
        tpu.yield
      }) : () -> ()
      %scan3A_71 = arith.constant 0 : i32
      scf.yield %scan3A_71 : i32
    }
    %scan3A_23 = arith.constant 80 : i32
    %dma_wait3A = arith.constant 159 : i32
    %dma_wait3A_24 = arith.constant 0 : i32
    %dma_wait3A_25 = tpu.memref_slice %arg7[%dma_wait3A, %dma_wait3A_24] : memref<160x64xi32, #tpu.memory_space<vmem>> -> memref<1x64xi32, #tpu.memory_space<vmem>>
    %dma_wait3A_26 = tpu.memref_squeeze %dma_wait3A_25 : memref<1x64xi32, #tpu.memory_space<vmem>> -> memref<64xi32, #tpu.memory_space<vmem>>
    %dma_wait3A_27 = arith.constant 0 : i32
    %dma_wait3A_28 = arith.constant 0 : i32
    %dma_wait3A_29 = tpu.memref_slice %arg2[%dma_wait3A_27, %dma_wait3A_28] : memref<20480x128xf32, #tpu.memory_space<hbm>> -> memref<20480x128xf32, #tpu.memory_space<hbm>>
    tpu.wait_indirect_dma semaphore(%arg12 : memref<!tpu.dma_semaphore, #tpu.memory_space<semaphore_mem>>) src(%dma_wait3A_29 : memref<20480x128xf32, #tpu.memory_space<hbm>>) dst(%arg9 : memref<64x128xf32, #tpu.memory_space<vmem>>)
    %barrier3A_30 = arith.constant 0 : index
    tpu.barrier barrier_id(%barrier3A_30)
    %mul3A_31 = arith.constant 640 : i32
    %mul3A_32 = arith.muli %arg1, %mul3A_31 : i32
    %mul3A_33 = arith.constant 10240 : i32
    %mul3A_34 = arith.muli %arg0, %mul3A_33 : i32
    %mul3A_35 = arith.constant 640 : i32
    %mul3A_36 = arith.muli %arg1, %mul3A_35 : i32
    %add3A_37 = arith.addi %mul3A_34, %mul3A_36 : i32
    "tpu.region"() ({
      %run_scoped3A = tpu.sem_alloc : memref<!tpu.dma_semaphore, #tpu.memory_space<semaphore_mem>>
      %dma_start3A_38 = arith.constant 0 : i32
      %dma_start3A_39 = tpu.memref_slice %arg6[%add3A_37, %dma_start3A_38] : memref<20480x128xf32, #tpu.memory_space<hbm>> -> memref<640x128xf32, #tpu.memory_space<hbm>>
      %dma_start3A_40 = arith.constant 0 : i32
      %dma_start3A_41 = tpu.memref_slice %arg11[%mul3A_32, %dma_start3A_40] : memref<10240x128xf32, #tpu.memory_space<vmem_shared>> -> memref<640x128xf32, #tpu.memory_space<vmem_shared>>
      tpu.enqueue_dma source(%dma_start3A_41 : memref<640x128xf32, #tpu.memory_space<vmem_shared>>) target(%dma_start3A_39 : memref<640x128xf32, #tpu.memory_space<hbm>>) target_semaphore(%run_scoped3A : memref<!tpu.dma_semaphore, #tpu.memory_space<semaphore_mem>>)
      %dma_wait3A_42 = arith.constant 0 : i32
      %dma_wait3A_43 = tpu.memref_slice %arg6[%add3A_37, %dma_wait3A_42] : memref<20480x128xf32, #tpu.memory_space<hbm>> -> memref<640x128xf32, #tpu.memory_space<hbm>>
      %dma_wait3A_44 = arith.constant 0 : i32
      %dma_wait3A_45 = tpu.memref_slice %arg11[%mul3A_32, %dma_wait3A_44] : memref<10240x128xf32, #tpu.memory_space<vmem_shared>> -> memref<640x128xf32, #tpu.memory_space<vmem_shared>>
      tpu.wait_dma2 semaphore(%run_scoped3A : memref<!tpu.dma_semaphore, #tpu.memory_space<semaphore_mem>>) src(%dma_wait3A_45 : memref<640x128xf32, #tpu.memory_space<vmem_shared>>) dst(%dma_wait3A_43 : memref<640x128xf32, #tpu.memory_space<hbm>>)
      tpu.yield
    }) : () -> ()
    return
  }
}

#map = affine_map<(d0, d1) -> (0, 0)>
module attributes {stable_mosaic.version = 14 : i64} {
  func.func @k(%arg0: i32, %arg1: i32, %arg2: memref<1280x128xi32, #tpu.memory_space<hbm>>, %arg3: memref<128x16xf32, #tpu.memory_space<hbm>>, %arg4: memref<64x16xf32, #tpu.memory_space<hbm>>, %arg5: memref<20480x16xf32, #tpu.memory_space<hbm>>, %arg6: memref<40x128xi32, #tpu.memory_space<vmem>>, %arg7: memref<128x16xf32, #tpu.memory_space<vmem>>, %arg8: memref<64x16xf32, #tpu.memory_space<vmem>>, %arg9: memref<10240x16xf32, #tpu.memory_space<vmem_shared>>) attributes {dimension_semantics = [#tpu.dimension_semantics<core_parallel>, #tpu.dimension_semantics<subcore_parallel>], iteration_bounds = array<i64: 2, 16>, scalar_prefetch = 0 : i64, scratch_operands = 4 : i64, tpu.core_type = #tpu.core_type<sc_vector_subcore>, window_params = [{transform_indices = #map}, {transform_indices = #map}, {transform_indices = #map}, {transform_indices = #map}]} {
    %mul3A = arith.constant 2 : i32
    %mul3A_0 = arith.muli %arg1, %mul3A : i32
    %add3A = arith.addi %mul3A_0, %arg0 : i32
    "tpu.region"() ({
      %run_scoped3A = tpu.sem_alloc : memref<!tpu.dma_semaphore, #tpu.memory_space<semaphore_mem>>
      tpu.enqueue_dma source(%arg3 : memref<128x16xf32, #tpu.memory_space<hbm>>) target(%arg7 : memref<128x16xf32, #tpu.memory_space<vmem>>) target_semaphore(%run_scoped3A : memref<!tpu.dma_semaphore, #tpu.memory_space<semaphore_mem>>)
      tpu.wait_dma2 semaphore(%run_scoped3A : memref<!tpu.dma_semaphore, #tpu.memory_space<semaphore_mem>>) src(%arg3 : memref<128x16xf32, #tpu.memory_space<hbm>>) dst(%arg7 : memref<128x16xf32, #tpu.memory_space<vmem>>)
      tpu.yield
    }) : () -> ()
    "tpu.region"() ({
      %run_scoped3A = tpu.sem_alloc : memref<!tpu.dma_semaphore, #tpu.memory_space<semaphore_mem>>
      tpu.enqueue_dma source(%arg4 : memref<64x16xf32, #tpu.memory_space<hbm>>) target(%arg8 : memref<64x16xf32, #tpu.memory_space<vmem>>) target_semaphore(%run_scoped3A : memref<!tpu.dma_semaphore, #tpu.memory_space<semaphore_mem>>)
      tpu.wait_dma2 semaphore(%run_scoped3A : memref<!tpu.dma_semaphore, #tpu.memory_space<semaphore_mem>>) src(%arg4 : memref<64x16xf32, #tpu.memory_space<hbm>>) dst(%arg8 : memref<64x16xf32, #tpu.memory_space<vmem>>)
      tpu.yield
    }) : () -> ()
    %scan3A = arith.constant 0 : i32
    %scan3A_1 = arith.constant 0 : i32
    %scan3A_2 = arith.constant 10 : i32
    %scan3A_3 = arith.addi %scan3A_1, %scan3A_2 : i32
    %scan3A_4 = arith.constant 1 : i32
    %scan3A_5 = scf.for %scan3A_24 = %scan3A_1 to %scan3A_3 step %scan3A_4 iter_args(%scan3A_25 = %scan3A) -> (i32)  : i32 {
      %mul3A_26 = arith.constant 640 : i32
      %mul3A_27 = arith.muli %arg1, %mul3A_26 : i32
      %mul3A_28 = arith.constant 64 : i32
      %mul3A_29 = arith.muli %scan3A_24, %mul3A_28 : i32
      %add3A_30 = arith.addi %mul3A_27, %mul3A_29 : i32
      "tpu.region"() ({
        %run_scoped3A = tpu.sem_alloc : memref<!tpu.dma_semaphore, #tpu.memory_space<semaphore_mem>>
        %dma_start3A = arith.constant 0 : i32
        %dma_start3A_32 = tpu.memref_slice %arg9[%add3A_30, %dma_start3A] : memref<10240x16xf32, #tpu.memory_space<vmem_shared>> -> memref<64x16xf32, #tpu.memory_space<vmem_shared>>
        %dma_start3A_33 = arith.constant 0 : i32
        %dma_start3A_34 = tpu.memref_slice %arg9[%add3A_30, %dma_start3A_33] : memref<10240x16xf32, #tpu.memory_space<vmem_shared>> -> memref<64x16xf32, #tpu.memory_space<vmem_shared>>
        tpu.enqueue_dma source(%arg8 : memref<64x16xf32, #tpu.memory_space<vmem>>) target(%dma_start3A_34 : memref<64x16xf32, #tpu.memory_space<vmem_shared>>) target_semaphore(%run_scoped3A : memref<!tpu.dma_semaphore, #tpu.memory_space<semaphore_mem>>)
        %dma_wait3A = arith.constant 0 : i32
        %dma_wait3A_35 = tpu.memref_slice %arg9[%add3A_30, %dma_wait3A] : memref<10240x16xf32, #tpu.memory_space<vmem_shared>> -> memref<64x16xf32, #tpu.memory_space<vmem_shared>>
        %dma_wait3A_36 = arith.constant 0 : i32
        %dma_wait3A_37 = tpu.memref_slice %arg9[%add3A_30, %dma_wait3A_36] : memref<10240x16xf32, #tpu.memory_space<vmem_shared>> -> memref<64x16xf32, #tpu.memory_space<vmem_shared>>
        tpu.wait_dma2 semaphore(%run_scoped3A : memref<!tpu.dma_semaphore, #tpu.memory_space<semaphore_mem>>) src(%arg8 : memref<64x16xf32, #tpu.memory_space<vmem>>) dst(%dma_wait3A_37 : memref<64x16xf32, #tpu.memory_space<vmem_shared>>)
        tpu.yield
      }) : () -> ()
      %scan3A_31 = arith.constant 0 : i32
      scf.yield %scan3A_31 : i32
    }
    %scan3A_6 = arith.constant 10 : i32
    %mul3A_7 = arith.constant 40 : i32
    %mul3A_8 = arith.muli %add3A, %mul3A_7 : i32
    "tpu.region"() ({
      %run_scoped3A = tpu.sem_alloc : memref<!tpu.dma_semaphore, #tpu.memory_space<semaphore_mem>>
      %dma_start3A = arith.constant 0 : i32
      %dma_start3A_24 = tpu.memref_slice %arg2[%mul3A_8, %dma_start3A] : memref<1280x128xi32, #tpu.memory_space<hbm>> -> memref<40x128xi32, #tpu.memory_space<hbm>>
      %dma_start3A_25 = arith.constant 0 : i32
      %dma_start3A_26 = tpu.memref_slice %arg2[%mul3A_8, %dma_start3A_25] : memref<1280x128xi32, #tpu.memory_space<hbm>> -> memref<40x128xi32, #tpu.memory_space<hbm>>
      tpu.enqueue_dma source(%dma_start3A_26 : memref<40x128xi32, #tpu.memory_space<hbm>>) target(%arg6 : memref<40x128xi32, #tpu.memory_space<vmem>>) target_semaphore(%run_scoped3A : memref<!tpu.dma_semaphore, #tpu.memory_space<semaphore_mem>>)
      %dma_wait3A = arith.constant 0 : i32
      %dma_wait3A_27 = tpu.memref_slice %arg2[%mul3A_8, %dma_wait3A] : memref<1280x128xi32, #tpu.memory_space<hbm>> -> memref<40x128xi32, #tpu.memory_space<hbm>>
      %dma_wait3A_28 = arith.constant 0 : i32
      %dma_wait3A_29 = tpu.memref_slice %arg2[%mul3A_8, %dma_wait3A_28] : memref<1280x128xi32, #tpu.memory_space<hbm>> -> memref<40x128xi32, #tpu.memory_space<hbm>>
      tpu.wait_dma2 semaphore(%run_scoped3A : memref<!tpu.dma_semaphore, #tpu.memory_space<semaphore_mem>>) src(%dma_wait3A_29 : memref<40x128xi32, #tpu.memory_space<hbm>>) dst(%arg6 : memref<40x128xi32, #tpu.memory_space<vmem>>)
      tpu.yield
    }) : () -> ()
    %barrier3A = arith.constant 0 : index
    tpu.barrier barrier_id(%barrier3A)
    %scan3A_9 = arith.constant 0 : i32
    %scan3A_10 = arith.constant 0 : i32
    %scan3A_11 = arith.constant 40 : i32
    %scan3A_12 = arith.addi %scan3A_10, %scan3A_11 : i32
    %scan3A_13 = arith.constant 1 : i32
    %scan3A_14 = scf.for %scan3A_24 = %scan3A_10 to %scan3A_12 step %scan3A_13 iter_args(%scan3A_25 = %scan3A_9) -> (i32)  : i32 {
      "tpu.region"() ({
        %run_scoped3A = tpu.sem_alloc : memref<!tpu.dma_semaphore, #tpu.memory_space<semaphore_mem>>
        %dma_start3A = arith.constant 0 : i32
        %dma_start3A_27 = tpu.memref_slice %arg6[%scan3A_24, %dma_start3A] : memref<40x128xi32, #tpu.memory_space<vmem>> -> memref<1x128xi32, #tpu.memory_space<vmem>>
        %dma_start3A_28 = tpu.memref_squeeze %dma_start3A_27 : memref<1x128xi32, #tpu.memory_space<vmem>> -> memref<128xi32, #tpu.memory_space<vmem>>
        %dma_start3A_29 = arith.constant 0 : i32
        %dma_start3A_30 = arith.constant 0 : i32
        %dma_start3A_31 = tpu.memref_slice %arg9[%dma_start3A_29, %dma_start3A_30] : memref<10240x16xf32, #tpu.memory_space<vmem_shared>> -> memref<10240x16xf32, #tpu.memory_space<vmem_shared>>
        tpu.enqueue_indirect_dma source(%arg7 : memref<128x16xf32, #tpu.memory_space<vmem>>) target(%dma_start3A_31 : memref<10240x16xf32, #tpu.memory_space<vmem_shared>>) offsets(%dma_start3A_28 : memref<128xi32, #tpu.memory_space<vmem>>) semaphore(%run_scoped3A : memref<!tpu.dma_semaphore, #tpu.memory_space<semaphore_mem>>) {add = true}
        %dma_wait3A = arith.constant 0 : i32
        %dma_wait3A_32 = tpu.memref_slice %arg6[%scan3A_24, %dma_wait3A] : memref<40x128xi32, #tpu.memory_space<vmem>> -> memref<1x128xi32, #tpu.memory_space<vmem>>
        %dma_wait3A_33 = tpu.memref_squeeze %dma_wait3A_32 : memref<1x128xi32, #tpu.memory_space<vmem>> -> memref<128xi32, #tpu.memory_space<vmem>>
        %dma_wait3A_34 = arith.constant 0 : i32
        %dma_wait3A_35 = arith.constant 0 : i32
        %dma_wait3A_36 = tpu.memref_slice %arg9[%dma_wait3A_34, %dma_wait3A_35] : memref<10240x16xf32, #tpu.memory_space<vmem_shared>> -> memref<10240x16xf32, #tpu.memory_space<vmem_shared>>
        tpu.wait_indirect_dma semaphore(%run_scoped3A : memref<!tpu.dma_semaphore, #tpu.memory_space<semaphore_mem>>) src(%arg7 : memref<128x16xf32, #tpu.memory_space<vmem>>) dst(%dma_wait3A_36 : memref<10240x16xf32, #tpu.memory_space<vmem_shared>>)
        tpu.yield
      }) : () -> ()
      %scan3A_26 = arith.constant 0 : i32
      scf.yield %scan3A_26 : i32
    }
    %scan3A_15 = arith.constant 40 : i32
    %barrier3A_16 = arith.constant 0 : index
    tpu.barrier barrier_id(%barrier3A_16)
    %mul3A_17 = arith.constant 640 : i32
    %mul3A_18 = arith.muli %arg1, %mul3A_17 : i32
    %mul3A_19 = arith.constant 10240 : i32
    %mul3A_20 = arith.muli %arg0, %mul3A_19 : i32
    %mul3A_21 = arith.constant 640 : i32
    %mul3A_22 = arith.muli %arg1, %mul3A_21 : i32
    %add3A_23 = arith.addi %mul3A_20, %mul3A_22 : i32
    "tpu.region"() ({
      %run_scoped3A = tpu.sem_alloc : memref<!tpu.dma_semaphore, #tpu.memory_space<semaphore_mem>>
      %dma_start3A = arith.constant 0 : i32
      %dma_start3A_24 = tpu.memref_slice %arg5[%add3A_23, %dma_start3A] : memref<20480x16xf32, #tpu.memory_space<hbm>> -> memref<640x16xf32, #tpu.memory_space<hbm>>
      %dma_start3A_25 = arith.constant 0 : i32
      %dma_start3A_26 = tpu.memref_slice %arg9[%mul3A_18, %dma_start3A_25] : memref<10240x16xf32, #tpu.memory_space<vmem_shared>> -> memref<640x16xf32, #tpu.memory_space<vmem_shared>>
      tpu.enqueue_dma source(%dma_start3A_26 : memref<640x16xf32, #tpu.memory_space<vmem_shared>>) target(%dma_start3A_24 : memref<640x16xf32, #tpu.memory_space<hbm>>) target_semaphore(%run_scoped3A : memref<!tpu.dma_semaphore, #tpu.memory_space<semaphore_mem>>)
      %dma_wait3A = arith.constant 0 : i32
      %dma_wait3A_27 = tpu.memref_slice %arg5[%add3A_23, %dma_wait3A] : memref<20480x16xf32, #tpu.memory_space<hbm>> -> memref<640x16xf32, #tpu.memory_space<hbm>>
      %dma_wait3A_28 = arith.constant 0 : i32
      %dma_wait3A_29 = tpu.memref_slice %arg9[%mul3A_18, %dma_wait3A_28] : memref<10240x16xf32, #tpu.memory_space<vmem_shared>> -> memref<640x16xf32, #tpu.memory_space<vmem_shared>>
      tpu.wait_dma2 semaphore(%run_scoped3A : memref<!tpu.dma_semaphore, #tpu.memory_space<semaphore_mem>>) src(%dma_wait3A_29 : memref<640x16xf32, #tpu.memory_space<vmem_shared>>) dst(%dma_wait3A_27 : memref<640x16xf32, #tpu.memory_space<hbm>>)
      tpu.yield
    }) : () -> ()
    return
  }
}

#map = affine_map<(d0, d1) -> (0, 0)>
module attributes {stable_mosaic.version = 14 : i64} {
  func.func @k(%arg0: i32, %arg1: i32, %arg2: memref<10240x128xf32, #tpu.memory_space<hbm>>, %arg3: memref<2560x64xi32, #tpu.memory_space<hbm>>, %arg4: memref<2560x64xi32, #tpu.memory_space<hbm>>, %arg5: memref<64x128xf32, #tpu.memory_space<hbm>>, %arg6: memref<20480x128xf32, #tpu.memory_space<hbm>>, %arg7: memref<80x64xi32, #tpu.memory_space<vmem>>, %arg8: memref<80x64xi32, #tpu.memory_space<vmem>>, %arg9: memref<64x128xf32, #tpu.memory_space<vmem>>, %arg10: memref<64x128xf32, #tpu.memory_space<vmem>>, %arg11: memref<10240x128xf32, #tpu.memory_space<vmem_shared>>, %arg12: memref<!tpu.dma_semaphore, #tpu.memory_space<semaphore_mem>>, %arg13: memref<!tpu.dma_semaphore, #tpu.memory_space<semaphore_mem>>) attributes {dimension_semantics = [#tpu.dimension_semantics<core_parallel>, #tpu.dimension_semantics<subcore_parallel>], iteration_bounds = array<i64: 2, 16>, scalar_prefetch = 0 : i64, scratch_operands = 7 : i64, tpu.core_type = #tpu.core_type<sc_vector_subcore>, window_params = [{transform_indices = #map}, {transform_indices = #map}, {transform_indices = #map}, {transform_indices = #map}, {transform_indices = #map}]} {
    "tpu.region"() ({
      %run_scoped3A = tpu.sem_alloc : memref<!tpu.dma_semaphore, #tpu.memory_space<semaphore_mem>>
      tpu.enqueue_dma source(%arg5 : memref<64x128xf32, #tpu.memory_space<hbm>>) target(%arg9 : memref<64x128xf32, #tpu.memory_space<vmem>>) target_semaphore(%run_scoped3A : memref<!tpu.dma_semaphore, #tpu.memory_space<semaphore_mem>>)
      tpu.wait_dma2 semaphore(%run_scoped3A : memref<!tpu.dma_semaphore, #tpu.memory_space<semaphore_mem>>) src(%arg5 : memref<64x128xf32, #tpu.memory_space<hbm>>) dst(%arg9 : memref<64x128xf32, #tpu.memory_space<vmem>>)
      tpu.yield
    }) : () -> ()
    %scan3A = arith.constant 0 : i32
    %scan3A_0 = arith.constant 0 : i32
    %scan3A_1 = arith.constant 10 : i32
    %scan3A_2 = arith.addi %scan3A_0, %scan3A_1 : i32
    %scan3A_3 = arith.constant 1 : i32
    %scan3A_4 = scf.for %scan3A_38 = %scan3A_0 to %scan3A_2 step %scan3A_3 iter_args(%scan3A_39 = %scan3A) -> (i32)  : i32 {
      %mul3A_40 = arith.constant 640 : i32
      %mul3A_41 = arith.muli %arg1, %mul3A_40 : i32
      %mul3A_42 = arith.constant 64 : i32
      %mul3A_43 = arith.muli %scan3A_38, %mul3A_42 : i32
      %add3A_44 = arith.addi %mul3A_41, %mul3A_43 : i32
      "tpu.region"() ({
        %run_scoped3A = tpu.sem_alloc : memref<!tpu.dma_semaphore, #tpu.memory_space<semaphore_mem>>
        %dma_start3A_46 = arith.constant 0 : i32
        %dma_start3A_47 = tpu.memref_slice %arg11[%add3A_44, %dma_start3A_46] : memref<10240x128xf32, #tpu.memory_space<vmem_shared>> -> memref<64x128xf32, #tpu.memory_space<vmem_shared>>
        %dma_start3A_48 = arith.constant 0 : i32
        %dma_start3A_49 = tpu.memref_slice %arg11[%add3A_44, %dma_start3A_48] : memref<10240x128xf32, #tpu.memory_space<vmem_shared>> -> memref<64x128xf32, #tpu.memory_space<vmem_shared>>
        tpu.enqueue_dma source(%arg9 : memref<64x128xf32, #tpu.memory_space<vmem>>) target(%dma_start3A_49 : memref<64x128xf32, #tpu.memory_space<vmem_shared>>) target_semaphore(%run_scoped3A : memref<!tpu.dma_semaphore, #tpu.memory_space<semaphore_mem>>)
        %dma_wait3A_50 = arith.constant 0 : i32
        %dma_wait3A_51 = tpu.memref_slice %arg11[%add3A_44, %dma_wait3A_50] : memref<10240x128xf32, #tpu.memory_space<vmem_shared>> -> memref<64x128xf32, #tpu.memory_space<vmem_shared>>
        %dma_wait3A_52 = arith.constant 0 : i32
        %dma_wait3A_53 = tpu.memref_slice %arg11[%add3A_44, %dma_wait3A_52] : memref<10240x128xf32, #tpu.memory_space<vmem_shared>> -> memref<64x128xf32, #tpu.memory_space<vmem_shared>>
        tpu.wait_dma2 semaphore(%run_scoped3A : memref<!tpu.dma_semaphore, #tpu.memory_space<semaphore_mem>>) src(%arg9 : memref<64x128xf32, #tpu.memory_space<vmem>>) dst(%dma_wait3A_53 : memref<64x128xf32, #tpu.memory_space<vmem_shared>>)
        tpu.yield
      }) : () -> ()
      %scan3A_45 = arith.constant 0 : i32
      scf.yield %scan3A_45 : i32
    }
    %scan3A_5 = arith.constant 10 : i32
    %mul3A = arith.constant 1280 : i32
    %mul3A_6 = arith.muli %arg0, %mul3A : i32
    %mul3A_7 = arith.constant 80 : i32
    %mul3A_8 = arith.muli %arg1, %mul3A_7 : i32
    %add3A = arith.addi %mul3A_6, %mul3A_8 : i32
    %add3A_9 = arith.constant 0 : i32
    %add3A_10 = arith.addi %add3A, %add3A_9 : i32
    "tpu.region"() ({
      %run_scoped3A = tpu.sem_alloc : memref<!tpu.dma_semaphore, #tpu.memory_space<semaphore_mem>>
      %dma_start3A_38 = arith.constant 0 : i32
      %dma_start3A_39 = tpu.memref_slice %arg3[%add3A_10, %dma_start3A_38] : memref<2560x64xi32, #tpu.memory_space<hbm>> -> memref<80x64xi32, #tpu.memory_space<hbm>>
      %dma_start3A_40 = arith.constant 0 : i32
      %dma_start3A_41 = tpu.memref_slice %arg3[%add3A_10, %dma_start3A_40] : memref<2560x64xi32, #tpu.memory_space<hbm>> -> memref<80x64xi32, #tpu.memory_space<hbm>>
      tpu.enqueue_dma source(%dma_start3A_41 : memref<80x64xi32, #tpu.memory_space<hbm>>) target(%arg7 : memref<80x64xi32, #tpu.memory_space<vmem>>) target_semaphore(%run_scoped3A : memref<!tpu.dma_semaphore, #tpu.memory_space<semaphore_mem>>)
      %dma_wait3A_42 = arith.constant 0 : i32
      %dma_wait3A_43 = tpu.memref_slice %arg3[%add3A_10, %dma_wait3A_42] : memref<2560x64xi32, #tpu.memory_space<hbm>> -> memref<80x64xi32, #tpu.memory_space<hbm>>
      %dma_wait3A_44 = arith.constant 0 : i32
      %dma_wait3A_45 = tpu.memref_slice %arg3[%add3A_10, %dma_wait3A_44] : memref<2560x64xi32, #tpu.memory_space<hbm>> -> memref<80x64xi32, #tpu.memory_space<hbm>>
      tpu.wait_dma2 semaphore(%run_scoped3A : memref<!tpu.dma_semaphore, #tpu.memory_space<semaphore_mem>>) src(%dma_wait3A_45 : memref<80x64xi32, #tpu.memory_space<hbm>>) dst(%arg7 : memref<80x64xi32, #tpu.memory_space<vmem>>)
      tpu.yield
    }) : () -> ()
    "tpu.region"() ({
      %run_scoped3A = tpu.sem_alloc : memref<!tpu.dma_semaphore, #tpu.memory_space<semaphore_mem>>
      %dma_start3A_38 = arith.constant 0 : i32
      %dma_start3A_39 = tpu.memref_slice %arg4[%add3A_10, %dma_start3A_38] : memref<2560x64xi32, #tpu.memory_space<hbm>> -> memref<80x64xi32, #tpu.memory_space<hbm>>
      %dma_start3A_40 = arith.constant 0 : i32
      %dma_start3A_41 = tpu.memref_slice %arg4[%add3A_10, %dma_start3A_40] : memref<2560x64xi32, #tpu.memory_space<hbm>> -> memref<80x64xi32, #tpu.memory_space<hbm>>
      tpu.enqueue_dma source(%dma_start3A_41 : memref<80x64xi32, #tpu.memory_space<hbm>>) target(%arg8 : memref<80x64xi32, #tpu.memory_space<vmem>>) target_semaphore(%run_scoped3A : memref<!tpu.dma_semaphore, #tpu.memory_space<semaphore_mem>>)
      %dma_wait3A_42 = arith.constant 0 : i32
      %dma_wait3A_43 = tpu.memref_slice %arg4[%add3A_10, %dma_wait3A_42] : memref<2560x64xi32, #tpu.memory_space<hbm>> -> memref<80x64xi32, #tpu.memory_space<hbm>>
      %dma_wait3A_44 = arith.constant 0 : i32
      %dma_wait3A_45 = tpu.memref_slice %arg4[%add3A_10, %dma_wait3A_44] : memref<2560x64xi32, #tpu.memory_space<hbm>> -> memref<80x64xi32, #tpu.memory_space<hbm>>
      tpu.wait_dma2 semaphore(%run_scoped3A : memref<!tpu.dma_semaphore, #tpu.memory_space<semaphore_mem>>) src(%dma_wait3A_45 : memref<80x64xi32, #tpu.memory_space<hbm>>) dst(%arg8 : memref<80x64xi32, #tpu.memory_space<vmem>>)
      tpu.yield
    }) : () -> ()
    %barrier3A = arith.constant 0 : index
    tpu.barrier barrier_id(%barrier3A)
    %dma_start3A = arith.constant 0 : i32
    %dma_start3A_11 = arith.constant 0 : i32
    %dma_start3A_12 = tpu.memref_slice %arg7[%dma_start3A, %dma_start3A_11] : memref<80x64xi32, #tpu.memory_space<vmem>> -> memref<1x64xi32, #tpu.memory_space<vmem>>
    %dma_start3A_13 = tpu.memref_squeeze %dma_start3A_12 : memref<1x64xi32, #tpu.memory_space<vmem>> -> memref<64xi32, #tpu.memory_space<vmem>>
    %dma_start3A_14 = arith.constant 0 : i32
    %dma_start3A_15 = arith.constant 0 : i32
    %dma_start3A_16 = tpu.memref_slice %arg2[%dma_start3A_14, %dma_start3A_15] : memref<10240x128xf32, #tpu.memory_space<hbm>> -> memref<10240x128xf32, #tpu.memory_space<hbm>>
    tpu.enqueue_indirect_dma source(%dma_start3A_16 : memref<10240x128xf32, #tpu.memory_space<hbm>>) target(%arg9 : memref<64x128xf32, #tpu.memory_space<vmem>>) offsets(%dma_start3A_13 : memref<64xi32, #tpu.memory_space<vmem>>) semaphore(%arg12 : memref<!tpu.dma_semaphore, #tpu.memory_space<semaphore_mem>>)
    %scan3A_17 = arith.constant 0 : i32
    %scan3A_18 = arith.constant 0 : i32
    %scan3A_19 = arith.constant 40 : i32
    %scan3A_20 = arith.addi %scan3A_18, %scan3A_19 : i32
    %scan3A_21 = arith.constant 1 : i32
    %scan3A_22 = scf.for %scan3A_38 = %scan3A_18 to %scan3A_20 step %scan3A_21 iter_args(%scan3A_39 = %scan3A_17) -> (i32)  : i32 {
      %mul3A_40 = arith.constant 2 : i32
      %mul3A_41 = arith.muli %mul3A_40, %scan3A_38 : i32
      %add3A_42 = arith.constant 1 : i32
      %add3A_43 = arith.addi %mul3A_41, %add3A_42 : i32
      %add3A_44 = arith.constant 2 : i32
      %add3A_45 = arith.addi %mul3A_41, %add3A_44 : i32
      %min3A = arith.constant 79 : i32
      %min3A_46 = arith.minsi %add3A_45, %min3A : i32
      %dma_start3A_47 = arith.constant 0 : i32
      %dma_start3A_48 = tpu.memref_slice %arg7[%add3A_43, %dma_start3A_47] : memref<80x64xi32, #tpu.memory_space<vmem>> -> memref<1x64xi32, #tpu.memory_space<vmem>>
      %dma_start3A_49 = tpu.memref_squeeze %dma_start3A_48 : memref<1x64xi32, #tpu.memory_space<vmem>> -> memref<64xi32, #tpu.memory_space<vmem>>
      %dma_start3A_50 = arith.constant 0 : i32
      %dma_start3A_51 = arith.constant 0 : i32
      %dma_start3A_52 = tpu.memref_slice %arg2[%dma_start3A_50, %dma_start3A_51] : memref<10240x128xf32, #tpu.memory_space<hbm>> -> memref<10240x128xf32, #tpu.memory_space<hbm>>
      tpu.enqueue_indirect_dma source(%dma_start3A_52 : memref<10240x128xf32, #tpu.memory_space<hbm>>) target(%arg10 : memref<64x128xf32, #tpu.memory_space<vmem>>) offsets(%dma_start3A_49 : memref<64xi32, #tpu.memory_space<vmem>>) semaphore(%arg13 : memref<!tpu.dma_semaphore, #tpu.memory_space<semaphore_mem>>)
      %dma_wait3A_53 = arith.constant 0 : i32
      %dma_wait3A_54 = tpu.memref_slice %arg7[%mul3A_41, %dma_wait3A_53] : memref<80x64xi32, #tpu.memory_space<vmem>> -> memref<1x64xi32, #tpu.memory_space<vmem>>
      %dma_wait3A_55 = tpu.memref_squeeze %dma_wait3A_54 : memref<1x64xi32, #tpu.memory_space<vmem>> -> memref<64xi32, #tpu.memory_space<vmem>>
      %dma_wait3A_56 = arith.constant 0 : i32
      %dma_wait3A_57 = arith.constant 0 : i32
      %dma_wait3A_58 = tpu.memref_slice %arg2[%dma_wait3A_56, %dma_wait3A_57] : memref<10240x128xf32, #tpu.memory_space<hbm>> -> memref<10240x128xf32, #tpu.memory_space<hbm>>
      tpu.wait_indirect_dma semaphore(%arg12 : memref<!tpu.dma_semaphore, #tpu.memory_space<semaphore_mem>>) src(%dma_wait3A_58 : memref<10240x128xf32, #tpu.memory_space<hbm>>) dst(%arg9 : memref<64x128xf32, #tpu.memory_space<vmem>>)
      "tpu.region"() ({
        %run_scoped3A = tpu.sem_alloc : memref<!tpu.dma_semaphore, #tpu.memory_space<semaphore_mem>>
        %dma_start3A_72 = arith.constant 0 : i32
        %dma_start3A_73 = tpu.memref_slice %arg8[%mul3A_41, %dma_start3A_72] : memref<80x64xi32, #tpu.memory_space<vmem>> -> memref<1x64xi32, #tpu.memory_space<vmem>>
        %dma_start3A_74 = tpu.memref_squeeze %dma_start3A_73 : memref<1x64xi32, #tpu.memory_space<vmem>> -> memref<64xi32, #tpu.memory_space<vmem>>
        %dma_start3A_75 = arith.constant 0 : i32
        %dma_start3A_76 = arith.constant 0 : i32
        %dma_start3A_77 = tpu.memref_slice %arg11[%dma_start3A_75, %dma_start3A_76] : memref<10240x128xf32, #tpu.memory_space<vmem_shared>> -> memref<10240x128xf32, #tpu.memory_space<vmem_shared>>
        tpu.enqueue_indirect_dma source(%arg9 : memref<64x128xf32, #tpu.memory_space<vmem>>) target(%dma_start3A_77 : memref<10240x128xf32, #tpu.memory_space<vmem_shared>>) offsets(%dma_start3A_74 : memref<64xi32, #tpu.memory_space<vmem>>) semaphore(%run_scoped3A : memref<!tpu.dma_semaphore, #tpu.memory_space<semaphore_mem>>) {add = true}
        %dma_wait3A_78 = arith.constant 0 : i32
        %dma_wait3A_79 = tpu.memref_slice %arg8[%mul3A_41, %dma_wait3A_78] : memref<80x64xi32, #tpu.memory_space<vmem>> -> memref<1x64xi32, #tpu.memory_space<vmem>>
        %dma_wait3A_80 = tpu.memref_squeeze %dma_wait3A_79 : memref<1x64xi32, #tpu.memory_space<vmem>> -> memref<64xi32, #tpu.memory_space<vmem>>
        %dma_wait3A_81 = arith.constant 0 : i32
        %dma_wait3A_82 = arith.constant 0 : i32
        %dma_wait3A_83 = tpu.memref_slice %arg11[%dma_wait3A_81, %dma_wait3A_82] : memref<10240x128xf32, #tpu.memory_space<vmem_shared>> -> memref<10240x128xf32, #tpu.memory_space<vmem_shared>>
        tpu.wait_indirect_dma semaphore(%run_scoped3A : memref<!tpu.dma_semaphore, #tpu.memory_space<semaphore_mem>>) src(%arg9 : memref<64x128xf32, #tpu.memory_space<vmem>>) dst(%dma_wait3A_83 : memref<10240x128xf32, #tpu.memory_space<vmem_shared>>)
        tpu.yield
      }) : () -> ()
      %dma_start3A_59 = arith.constant 0 : i32
      %dma_start3A_60 = tpu.memref_slice %arg7[%min3A_46, %dma_start3A_59] : memref<80x64xi32, #tpu.memory_space<vmem>> -> memref<1x64xi32, #tpu.memory_space<vmem>>
      %dma_start3A_61 = tpu.memref_squeeze %dma_start3A_60 : memref<1x64xi32, #tpu.memory_space<vmem>> -> memref<64xi32, #tpu.memory_space<vmem>>
      %dma_start3A_62 = arith.constant 0 : i32
      %dma_start3A_63 = arith.constant 0 : i32
      %dma_start3A_64 = tpu.memref_slice %arg2[%dma_start3A_62, %dma_start3A_63] : memref<10240x128xf32, #tpu.memory_space<hbm>> -> memref<10240x128xf32, #tpu.memory_space<hbm>>
      tpu.enqueue_indirect_dma source(%dma_start3A_64 : memref<10240x128xf32, #tpu.memory_space<hbm>>) target(%arg9 : memref<64x128xf32, #tpu.memory_space<vmem>>) offsets(%dma_start3A_61 : memref<64xi32, #tpu.memory_space<vmem>>) semaphore(%arg12 : memref<!tpu.dma_semaphore, #tpu.memory_space<semaphore_mem>>)
      %dma_wait3A_65 = arith.constant 0 : i32
      %dma_wait3A_66 = tpu.memref_slice %arg7[%add3A_43, %dma_wait3A_65] : memref<80x64xi32, #tpu.memory_space<vmem>> -> memref<1x64xi32, #tpu.memory_space<vmem>>
      %dma_wait3A_67 = tpu.memref_squeeze %dma_wait3A_66 : memref<1x64xi32, #tpu.memory_space<vmem>> -> memref<64xi32, #tpu.memory_space<vmem>>
      %dma_wait3A_68 = arith.constant 0 : i32
      %dma_wait3A_69 = arith.constant 0 : i32
      %dma_wait3A_70 = tpu.memref_slice %arg2[%dma_wait3A_68, %dma_wait3A_69] : memref<10240x128xf32, #tpu.memory_space<hbm>> -> memref<10240x128xf32, #tpu.memory_space<hbm>>
      tpu.wait_indirect_dma semaphore(%arg13 : memref<!tpu.dma_semaphore, #tpu.memory_space<semaphore_mem>>) src(%dma_wait3A_70 : memref<10240x128xf32, #tpu.memory_space<hbm>>) dst(%arg10 : memref<64x128xf32, #tpu.memory_space<vmem>>)
      "tpu.region"() ({
        %run_scoped3A = tpu.sem_alloc : memref<!tpu.dma_semaphore, #tpu.memory_space<semaphore_mem>>
        %dma_start3A_72 = arith.constant 0 : i32
        %dma_start3A_73 = tpu.memref_slice %arg8[%add3A_43, %dma_start3A_72] : memref<80x64xi32, #tpu.memory_space<vmem>> -> memref<1x64xi32, #tpu.memory_space<vmem>>
        %dma_start3A_74 = tpu.memref_squeeze %dma_start3A_73 : memref<1x64xi32, #tpu.memory_space<vmem>> -> memref<64xi32, #tpu.memory_space<vmem>>
        %dma_start3A_75 = arith.constant 0 : i32
        %dma_start3A_76 = arith.constant 0 : i32
        %dma_start3A_77 = tpu.memref_slice %arg11[%dma_start3A_75, %dma_start3A_76] : memref<10240x128xf32, #tpu.memory_space<vmem_shared>> -> memref<10240x128xf32, #tpu.memory_space<vmem_shared>>
        tpu.enqueue_indirect_dma source(%arg10 : memref<64x128xf32, #tpu.memory_space<vmem>>) target(%dma_start3A_77 : memref<10240x128xf32, #tpu.memory_space<vmem_shared>>) offsets(%dma_start3A_74 : memref<64xi32, #tpu.memory_space<vmem>>) semaphore(%run_scoped3A : memref<!tpu.dma_semaphore, #tpu.memory_space<semaphore_mem>>) {add = true}
        %dma_wait3A_78 = arith.constant 0 : i32
        %dma_wait3A_79 = tpu.memref_slice %arg8[%add3A_43, %dma_wait3A_78] : memref<80x64xi32, #tpu.memory_space<vmem>> -> memref<1x64xi32, #tpu.memory_space<vmem>>
        %dma_wait3A_80 = tpu.memref_squeeze %dma_wait3A_79 : memref<1x64xi32, #tpu.memory_space<vmem>> -> memref<64xi32, #tpu.memory_space<vmem>>
        %dma_wait3A_81 = arith.constant 0 : i32
        %dma_wait3A_82 = arith.constant 0 : i32
        %dma_wait3A_83 = tpu.memref_slice %arg11[%dma_wait3A_81, %dma_wait3A_82] : memref<10240x128xf32, #tpu.memory_space<vmem_shared>> -> memref<10240x128xf32, #tpu.memory_space<vmem_shared>>
        tpu.wait_indirect_dma semaphore(%run_scoped3A : memref<!tpu.dma_semaphore, #tpu.memory_space<semaphore_mem>>) src(%arg10 : memref<64x128xf32, #tpu.memory_space<vmem>>) dst(%dma_wait3A_83 : memref<10240x128xf32, #tpu.memory_space<vmem_shared>>)
        tpu.yield
      }) : () -> ()
      %scan3A_71 = arith.constant 0 : i32
      scf.yield %scan3A_71 : i32
    }
    %scan3A_23 = arith.constant 40 : i32
    %dma_wait3A = arith.constant 79 : i32
    %dma_wait3A_24 = arith.constant 0 : i32
    %dma_wait3A_25 = tpu.memref_slice %arg7[%dma_wait3A, %dma_wait3A_24] : memref<80x64xi32, #tpu.memory_space<vmem>> -> memref<1x64xi32, #tpu.memory_space<vmem>>
    %dma_wait3A_26 = tpu.memref_squeeze %dma_wait3A_25 : memref<1x64xi32, #tpu.memory_space<vmem>> -> memref<64xi32, #tpu.memory_space<vmem>>
    %dma_wait3A_27 = arith.constant 0 : i32
    %dma_wait3A_28 = arith.constant 0 : i32
    %dma_wait3A_29 = tpu.memref_slice %arg2[%dma_wait3A_27, %dma_wait3A_28] : memref<10240x128xf32, #tpu.memory_space<hbm>> -> memref<10240x128xf32, #tpu.memory_space<hbm>>
    tpu.wait_indirect_dma semaphore(%arg12 : memref<!tpu.dma_semaphore, #tpu.memory_space<semaphore_mem>>) src(%dma_wait3A_29 : memref<10240x128xf32, #tpu.memory_space<hbm>>) dst(%arg9 : memref<64x128xf32, #tpu.memory_space<vmem>>)
    %barrier3A_30 = arith.constant 0 : index
    tpu.barrier barrier_id(%barrier3A_30)
    %mul3A_31 = arith.constant 640 : i32
    %mul3A_32 = arith.muli %arg1, %mul3A_31 : i32
    %mul3A_33 = arith.constant 10240 : i32
    %mul3A_34 = arith.muli %arg0, %mul3A_33 : i32
    %mul3A_35 = arith.constant 640 : i32
    %mul3A_36 = arith.muli %arg1, %mul3A_35 : i32
    %add3A_37 = arith.addi %mul3A_34, %mul3A_36 : i32
    "tpu.region"() ({
      %run_scoped3A = tpu.sem_alloc : memref<!tpu.dma_semaphore, #tpu.memory_space<semaphore_mem>>
      %dma_start3A_38 = arith.constant 0 : i32
      %dma_start3A_39 = tpu.memref_slice %arg6[%add3A_37, %dma_start3A_38] : memref<20480x128xf32, #tpu.memory_space<hbm>> -> memref<640x128xf32, #tpu.memory_space<hbm>>
      %dma_start3A_40 = arith.constant 0 : i32
      %dma_start3A_41 = tpu.memref_slice %arg11[%mul3A_32, %dma_start3A_40] : memref<10240x128xf32, #tpu.memory_space<vmem_shared>> -> memref<640x128xf32, #tpu.memory_space<vmem_shared>>
      tpu.enqueue_dma source(%dma_start3A_41 : memref<640x128xf32, #tpu.memory_space<vmem_shared>>) target(%dma_start3A_39 : memref<640x128xf32, #tpu.memory_space<hbm>>) target_semaphore(%run_scoped3A : memref<!tpu.dma_semaphore, #tpu.memory_space<semaphore_mem>>)
      %dma_wait3A_42 = arith.constant 0 : i32
      %dma_wait3A_43 = tpu.memref_slice %arg6[%add3A_37, %dma_wait3A_42] : memref<20480x128xf32, #tpu.memory_space<hbm>> -> memref<640x128xf32, #tpu.memory_space<hbm>>
      %dma_wait3A_44 = arith.constant 0 : i32
      %dma_wait3A_45 = tpu.memref_slice %arg11[%mul3A_32, %dma_wait3A_44] : memref<10240x128xf32, #tpu.memory_space<vmem_shared>> -> memref<640x128xf32, #tpu.memory_space<vmem_shared>>
      tpu.wait_dma2 semaphore(%run_scoped3A : memref<!tpu.dma_semaphore, #tpu.memory_space<semaphore_mem>>) src(%dma_wait3A_45 : memref<640x128xf32, #tpu.memory_space<vmem_shared>>) dst(%dma_wait3A_43 : memref<640x128xf32, #tpu.memory_space<hbm>>)
      tpu.yield
    }) : () -> ()
    return
  }
}

module attributes {stable_mosaic.version = 14 : i64} {
  func.func @body(%arg0: i32, %arg1: memref<1024x128xf32, #tpu.memory_space<vmem>>, %arg2: memref<128x256xf32, #tpu.memory_space<vmem>>, %arg3: memref<2x1024x16xf32, #tpu.memory_space<vmem>>, %arg4: memref<2x1024x128xf32, #tpu.memory_space<vmem>>, %arg5: memref<1024x1xf32, #tpu.memory_space<vmem>>) attributes {dimension_semantics = [#tpu.dimension_semantics<arbitrary>], iteration_bounds = array<i64: 10>, scalar_prefetch = 0 : i64, scratch_operands = 0 : i64, tpu.core_type = #tpu.core_type<tc>, window_params = [{transform_indices = @transform_0, window_bounds = array<i64: 1024, 128>}, {pipeline_mode = #tpu.pipeline_mode<synchronous>, transform_indices = @transform_1, window_bounds = array<i64: 128, 256>}, {transform_indices = @transform_2, window_bounds = array<i64: 2, 1024, 16>}, {transform_indices = @transform_3, window_bounds = array<i64: 2, 1024, 128>}, {transform_indices = @transform_4, window_bounds = array<i64: 1024, 1>}]} {
    %get3A = arith.constant 0 : index
    %get3A_0 = arith.constant 0 : index
    %get3A_1 = arith.constant 0 : index
    %get3A_2 = vector.load %arg3[%get3A, %get3A_0, %get3A_1] : memref<2x1024x16xf32, #tpu.memory_space<vmem>>, vector<1x1024x1xf32>
    %get3A_3 = vector.shape_cast %get3A_2 : vector<1x1024x1xf32> to vector<1024x1xf32>
    %get3A_4 = arith.constant 1 : index
    %get3A_5 = arith.constant 0 : index
    %get3A_6 = arith.constant 0 : index
    %get3A_7 = vector.load %arg3[%get3A_4, %get3A_5, %get3A_6] : memref<2x1024x16xf32, #tpu.memory_space<vmem>>, vector<1x1024x1xf32>
    %get3A_8 = vector.shape_cast %get3A_7 : vector<1x1024x1xf32> to vector<1024x1xf32>
    %add3A = arith.addf %get3A_3, %get3A_8 : vector<1024x1xf32>
    %add3A_9 = arith.constant 1.000000e+00 : f32
    %add3A_10 = vector.broadcast %add3A_9 : f32 to vector<1024x1xf32>
    %add3A_11 = arith.addf %add3A, %add3A_10 : vector<1024x1xf32>
    %rsqrt3A = math.rsqrt %add3A_11 : vector<1024x1xf32>
    %get3A_12 = arith.constant 0 : index
    %get3A_13 = arith.constant 0 : index
    %get3A_14 = vector.load %arg1[%get3A_12, %get3A_13] : memref<1024x128xf32, #tpu.memory_space<vmem>>, vector<1024x128xf32>
    %get3A_15 = arith.constant 0 : index
    %get3A_16 = arith.constant 0 : index
    %get3A_17 = vector.load %arg2[%get3A_15, %get3A_16] : memref<128x256xf32, #tpu.memory_space<vmem>>, vector<128x256xf32>
    %dot_general3A = arith.constant dense<0.000000e+00> : vector<1024x256xf32>
    %dot_general3A_18 = tpu.matmul %get3A_14, %get3A_17, %dot_general3A {dimension_numbers = #tpu.dot_dimension_numbers<[1], [0], [0], [1], [0, 0, 1, 1], [], []>, transpose_lhs_hint = false} : vector<1024x128xf32>, vector<128x256xf32>, vector<1024x256xf32> -> vector<1024x256xf32>
    %mul3A = vector.broadcast %rsqrt3A : vector<1024x1xf32> to vector<1024x256xf32>
    %mul3A_19 = arith.mulf %dot_general3A_18, %mul3A : vector<1024x256xf32>
    %slice3A = vector.extract_strided_slice %mul3A_19 {offsets = [0, 0], sizes = [1024, 128], strides = [1, 1]} : vector<1024x256xf32> to vector<1024x128xf32>
    %swap3A = arith.constant 0 : index
    %swap3A_20 = arith.constant 0 : index
    %swap3A_21 = arith.constant 0 : index
    %swap3A_22 = vector.load %arg4[%swap3A, %swap3A_20, %swap3A_21] : memref<2x1024x128xf32, #tpu.memory_space<vmem>>, vector<1x1024x128xf32>
    %swap3A_23 = vector.shape_cast %swap3A_22 : vector<1x1024x128xf32> to vector<1024x128xf32>
    %swap3A_24 = vector.shape_cast %slice3A : vector<1024x128xf32> to vector<1x1024x128xf32>
    tpu.vector_store %arg4[%swap3A, %swap3A_20, %swap3A_21], %swap3A_24 {strides = array<i32>} : memref<2x1024x128xf32, #tpu.memory_space<vmem>>, vector<1x1024x128xf32>,
    %slice3A_25 = vector.extract_strided_slice %mul3A_19 {offsets = [0, 128], sizes = [1024, 128], strides = [1, 1]} : vector<1024x256xf32> to vector<1024x128xf32>
    %swap3A_26 = arith.constant 1 : index
    %swap3A_27 = arith.constant 0 : index
    %swap3A_28 = arith.constant 0 : index
    %swap3A_29 = vector.load %arg4[%swap3A_26, %swap3A_27, %swap3A_28] : memref<2x1024x128xf32, #tpu.memory_space<vmem>>, vector<1x1024x128xf32>
    %swap3A_30 = vector.shape_cast %swap3A_29 : vector<1x1024x128xf32> to vector<1024x128xf32>
    %swap3A_31 = vector.shape_cast %slice3A_25 : vector<1024x128xf32> to vector<1x1024x128xf32>
    tpu.vector_store %arg4[%swap3A_26, %swap3A_27, %swap3A_28], %swap3A_31 {strides = array<i32>} : memref<2x1024x128xf32, #tpu.memory_space<vmem>>, vector<1x1024x128xf32>,
    %swap3A_32 = arith.constant 0 : index
    %swap3A_33 = arith.constant 0 : index
    %swap3A_34 = vector.load %arg5[%swap3A_32, %swap3A_33] : memref<1024x1xf32, #tpu.memory_space<vmem>>, vector<1024x1xf32>
    tpu.vector_store %arg5[%swap3A_32, %swap3A_33], %rsqrt3A {strides = array<i32>} : memref<1024x1xf32, #tpu.memory_space<vmem>>, vector<1024x1xf32>,
    return
  }
  func.func @transform_0(%arg0: i32) -> (i32, i32) {
    %c0_i32 = arith.constant 0 : i32
    %c0_i32_0 = arith.constant 0 : i32
    return %arg0, %c0_i32 : i32, i32
  }
  func.func @transform_1(%arg0: i32) -> (i32, i32) {
    %c0_i32 = arith.constant 0 : i32
    %c0_i32_0 = arith.constant 0 : i32
    %c0_i32_1 = arith.constant 0 : i32
    return %c0_i32, %c0_i32_0 : i32, i32
  }
  func.func @transform_2(%arg0: i32) -> (i32, i32, i32) {
    %c0_i32 = arith.constant 0 : i32
    %c0_i32_0 = arith.constant 0 : i32
    %c0_i32_1 = arith.constant 0 : i32
    return %c0_i32, %arg0, %c0_i32_0 : i32, i32, i32
  }
  func.func @transform_3(%arg0: i32) -> (i32, i32, i32) {
    %c0_i32 = arith.constant 0 : i32
    %c0_i32_0 = arith.constant 0 : i32
    %c0_i32_1 = arith.constant 0 : i32
    return %c0_i32, %arg0, %c0_i32_0 : i32, i32, i32
  }
  func.func @transform_4(%arg0: i32) -> (i32, i32) {
    %c0_i32 = arith.constant 0 : i32
    %c0_i32_0 = arith.constant 0 : i32
    return %arg0, %c0_i32 : i32, i32
  }
}

module attributes {stable_mosaic.version = 14 : i64} {
  func.func @body(%arg0: i32, %arg1: memref<2x1024x128xf32, #tpu.memory_space<vmem>>, %arg2: memref<2x1024x128xf32, #tpu.memory_space<vmem>>, %arg3: memref<1024x1xf32, #tpu.memory_space<vmem>>, %arg4: memref<1x256xf32, #tpu.memory_space<vmem>>, %arg5: memref<256x256xf32, #tpu.memory_space<vmem>>, %arg6: memref<2x1024x128xf32, #tpu.memory_space<vmem>>) attributes {dimension_semantics = [#tpu.dimension_semantics<arbitrary>], iteration_bounds = array<i64: 10>, scalar_prefetch = 0 : i64, scratch_operands = 0 : i64, tpu.core_type = #tpu.core_type<tc>, window_params = [{transform_indices = @transform_0, window_bounds = array<i64: 2, 1024, 128>}, {transform_indices = @transform_1, window_bounds = array<i64: 2, 1024, 128>}, {transform_indices = @transform_2, window_bounds = array<i64: 1024, 1>}, {pipeline_mode = #tpu.pipeline_mode<synchronous>, transform_indices = @transform_3, window_bounds = array<i64: 1, 256>}, {pipeline_mode = #tpu.pipeline_mode<synchronous>, transform_indices = @transform_4, window_bounds = array<i64: 256, 256>}, {transform_indices = @transform_5, window_bounds = array<i64: 2, 1024, 128>}]} {
    %get3A = arith.constant 0 : index
    %get3A_0 = arith.constant 0 : index
    %get3A_1 = vector.load %arg3[%get3A, %get3A_0] : memref<1024x1xf32, #tpu.memory_space<vmem>>, vector<1024x1xf32>
    %get3A_2 = arith.constant 0 : index
    %get3A_3 = arith.constant 0 : index
    %get3A_4 = vector.load %arg4[%get3A_2, %get3A_3] : memref<1x256xf32, #tpu.memory_space<vmem>>, vector<1x256xf32>
    %get3A_5 = arith.constant 0 : index
    %get3A_6 = arith.constant 0 : index
    %get3A_7 = arith.constant 0 : index
    %get3A_8 = vector.load %arg1[%get3A_5, %get3A_6, %get3A_7] : memref<2x1024x128xf32, #tpu.memory_space<vmem>>, vector<1x1024x128xf32>
    %get3A_9 = vector.shape_cast %get3A_8 : vector<1x1024x128xf32> to vector<1024x128xf32>
    %get3A_10 = arith.constant 0 : index
    %get3A_11 = arith.constant 0 : index
    %get3A_12 = arith.constant 0 : index
    %get3A_13 = vector.load %arg2[%get3A_10, %get3A_11, %get3A_12] : memref<2x1024x128xf32, #tpu.memory_space<vmem>>, vector<1x1024x128xf32>
    %get3A_14 = vector.shape_cast %get3A_13 : vector<1x1024x128xf32> to vector<1024x128xf32>
    %add3A = arith.addf %get3A_9, %get3A_14 : vector<1024x128xf32>
    %mul3A = vector.broadcast %get3A_1 : vector<1024x1xf32> to vector<1024x128xf32>
    %mul3A_15 = arith.mulf %add3A, %mul3A : vector<1024x128xf32>
    %slice3A = vector.extract_strided_slice %get3A_4 {offsets = [0, 0], sizes = [1, 128], strides = [1, 1]} : vector<1x256xf32> to vector<1x128xf32>
    %add3A_16 = vector.broadcast %slice3A : vector<1x128xf32> to vector<1024x128xf32>
    %add3A_17 = arith.addf %mul3A_15, %add3A_16 : vector<1024x128xf32>
    %get3A_18 = arith.constant 1 : index
    %get3A_19 = arith.constant 0 : index
    %get3A_20 = arith.constant 0 : index
    %get3A_21 = vector.load %arg1[%get3A_18, %get3A_19, %get3A_20] : memref<2x1024x128xf32, #tpu.memory_space<vmem>>, vector<1x1024x128xf32>
    %get3A_22 = vector.shape_cast %get3A_21 : vector<1x1024x128xf32> to vector<1024x128xf32>
    %get3A_23 = arith.constant 1 : index
    %get3A_24 = arith.constant 0 : index
    %get3A_25 = arith.constant 0 : index
    %get3A_26 = vector.load %arg2[%get3A_23, %get3A_24, %get3A_25] : memref<2x1024x128xf32, #tpu.memory_space<vmem>>, vector<1x1024x128xf32>
    %get3A_27 = vector.shape_cast %get3A_26 : vector<1x1024x128xf32> to vector<1024x128xf32>
    %add3A_28 = arith.addf %get3A_22, %get3A_27 : vector<1024x128xf32>
    %mul3A_29 = vector.broadcast %get3A_1 : vector<1024x1xf32> to vector<1024x128xf32>
    %mul3A_30 = arith.mulf %add3A_28, %mul3A_29 : vector<1024x128xf32>
    %slice3A_31 = vector.extract_strided_slice %get3A_4 {offsets = [0, 128], sizes = [1, 128], strides = [1, 1]} : vector<1x256xf32> to vector<1x128xf32>
    %add3A_32 = vector.broadcast %slice3A_31 : vector<1x128xf32> to vector<1024x128xf32>
    %add3A_33 = arith.addf %mul3A_30, %add3A_32 : vector<1024x128xf32>
    %concatenate3A = tpu.concatenate %add3A_17, %add3A_33 in 1 : vector<1024x128xf32>, vector<1024x128xf32> -> vector<1024x256xf32>
    %max3A = arith.constant 0.000000e+00 : f32
    %max3A_34 = vector.broadcast %max3A : f32 to vector<1024x256xf32>
    %max3A_35 = arith.maximumf %concatenate3A, %max3A_34 : vector<1024x256xf32>
    %get3A_36 = arith.constant 0 : index
    %get3A_37 = arith.constant 0 : index
    %get3A_38 = vector.load %arg5[%get3A_36, %get3A_37] : memref<256x256xf32, #tpu.memory_space<vmem>>, vector<256x256xf32>
    %dot_general3A = arith.constant dense<0.000000e+00> : vector<1024x256xf32>
    %dot_general3A_39 = tpu.matmul %max3A_35, %get3A_38, %dot_general3A {dimension_numbers = #tpu.dot_dimension_numbers<[1], [0], [0], [1], [0, 0, 1, 1], [], []>, transpose_lhs_hint = false} : vector<1024x256xf32>, vector<256x256xf32>, vector<1024x256xf32> -> vector<1024x256xf32>
    %mul3A_40 = vector.broadcast %get3A_1 : vector<1024x1xf32> to vector<1024x256xf32>
    %mul3A_41 = arith.mulf %dot_general3A_39, %mul3A_40 : vector<1024x256xf32>
    %slice3A_42 = vector.extract_strided_slice %mul3A_41 {offsets = [0, 0], sizes = [1024, 128], strides = [1, 1]} : vector<1024x256xf32> to vector<1024x128xf32>
    %swap3A = arith.constant 0 : index
    %swap3A_43 = arith.constant 0 : index
    %swap3A_44 = arith.constant 0 : index
    %swap3A_45 = vector.load %arg6[%swap3A, %swap3A_43, %swap3A_44] : memref<2x1024x128xf32, #tpu.memory_space<vmem>>, vector<1x1024x128xf32>
    %swap3A_46 = vector.shape_cast %swap3A_45 : vector<1x1024x128xf32> to vector<1024x128xf32>
    %swap3A_47 = vector.shape_cast %slice3A_42 : vector<1024x128xf32> to vector<1x1024x128xf32>
    tpu.vector_store %arg6[%swap3A, %swap3A_43, %swap3A_44], %swap3A_47 {strides = array<i32>} : memref<2x1024x128xf32, #tpu.memory_space<vmem>>, vector<1x1024x128xf32>,
    %slice3A_48 = vector.extract_strided_slice %mul3A_41 {offsets = [0, 128], sizes = [1024, 128], strides = [1, 1]} : vector<1024x256xf32> to vector<1024x128xf32>
    %swap3A_49 = arith.constant 1 : index
    %swap3A_50 = arith.constant 0 : index
    %swap3A_51 = arith.constant 0 : index
    %swap3A_52 = vector.load %arg6[%swap3A_49, %swap3A_50, %swap3A_51] : memref<2x1024x128xf32, #tpu.memory_space<vmem>>, vector<1x1024x128xf32>
    %swap3A_53 = vector.shape_cast %swap3A_52 : vector<1x1024x128xf32> to vector<1024x128xf32>
    %swap3A_54 = vector.shape_cast %slice3A_48 : vector<1024x128xf32> to vector<1x1024x128xf32>
    tpu.vector_store %arg6[%swap3A_49, %swap3A_50, %swap3A_51], %swap3A_54 {strides = array<i32>} : memref<2x1024x128xf32, #tpu.memory_space<vmem>>, vector<1x1024x128xf32>,
    return
  }
  func.func @transform_0(%arg0: i32) -> (i32, i32, i32) {
    %c0_i32 = arith.constant 0 : i32
    %c0_i32_0 = arith.constant 0 : i32
    %c0_i32_1 = arith.constant 0 : i32
    return %c0_i32, %arg0, %c0_i32_0 : i32, i32, i32
  }
  func.func @transform_1(%arg0: i32) -> (i32, i32, i32) {
    %c0_i32 = arith.constant 0 : i32
    %c0_i32_0 = arith.constant 0 : i32
    %c0_i32_1 = arith.constant 0 : i32
    return %c0_i32, %arg0, %c0_i32_0 : i32, i32, i32
  }
  func.func @transform_2(%arg0: i32) -> (i32, i32) {
    %c0_i32 = arith.constant 0 : i32
    %c0_i32_0 = arith.constant 0 : i32
    return %arg0, %c0_i32 : i32, i32
  }
  func.func @transform_3(%arg0: i32) -> (i32, i32) {
    %c0_i32 = arith.constant 0 : i32
    %c0_i32_0 = arith.constant 0 : i32
    %c0_i32_1 = arith.constant 0 : i32
    return %c0_i32, %c0_i32_0 : i32, i32
  }
  func.func @transform_4(%arg0: i32) -> (i32, i32) {
    %c0_i32 = arith.constant 0 : i32
    %c0_i32_0 = arith.constant 0 : i32
    %c0_i32_1 = arith.constant 0 : i32
    return %c0_i32, %c0_i32_0 : i32, i32
  }
  func.func @transform_5(%arg0: i32) -> (i32, i32, i32) {
    %c0_i32 = arith.constant 0 : i32
    %c0_i32_0 = arith.constant 0 : i32
    %c0_i32_1 = arith.constant 0 : i32
    return %c0_i32, %arg0, %c0_i32_0 : i32, i32, i32
  }
}

module attributes {stable_mosaic.version = 14 : i64} {
  func.func @body(%arg0: i32, %arg1: memref<2x1024x128xf32, #tpu.memory_space<vmem>>, %arg2: memref<2x1024x128xf32, #tpu.memory_space<vmem>>, %arg3: memref<1024x1xf32, #tpu.memory_space<vmem>>, %arg4: memref<1x256xf32, #tpu.memory_space<vmem>>, %arg5: memref<256x128xf32, #tpu.memory_space<vmem>>, %arg6: memref<1024x128xf32, #tpu.memory_space<vmem>>) attributes {dimension_semantics = [#tpu.dimension_semantics<arbitrary>], iteration_bounds = array<i64: 10>, scalar_prefetch = 0 : i64, scratch_operands = 0 : i64, tpu.core_type = #tpu.core_type<tc>, window_params = [{transform_indices = @transform_0, window_bounds = array<i64: 2, 1024, 128>}, {transform_indices = @transform_1, window_bounds = array<i64: 2, 1024, 128>}, {transform_indices = @transform_2, window_bounds = array<i64: 1024, 1>}, {pipeline_mode = #tpu.pipeline_mode<synchronous>, transform_indices = @transform_3, window_bounds = array<i64: 1, 256>}, {pipeline_mode = #tpu.pipeline_mode<synchronous>, transform_indices = @transform_4, window_bounds = array<i64: 256, 128>}, {transform_indices = @transform_5, window_bounds = array<i64: 1024, 128>}]} {
    %get3A = arith.constant 0 : index
    %get3A_0 = arith.constant 0 : index
    %get3A_1 = vector.load %arg3[%get3A, %get3A_0] : memref<1024x1xf32, #tpu.memory_space<vmem>>, vector<1024x1xf32>
    %get3A_2 = arith.constant 0 : index
    %get3A_3 = arith.constant 0 : index
    %get3A_4 = vector.load %arg4[%get3A_2, %get3A_3] : memref<1x256xf32, #tpu.memory_space<vmem>>, vector<1x256xf32>
    %get3A_5 = arith.constant 0 : index
    %get3A_6 = arith.constant 0 : index
    %get3A_7 = arith.constant 0 : index
    %get3A_8 = vector.load %arg1[%get3A_5, %get3A_6, %get3A_7] : memref<2x1024x128xf32, #tpu.memory_space<vmem>>, vector<1x1024x128xf32>
    %get3A_9 = vector.shape_cast %get3A_8 : vector<1x1024x128xf32> to vector<1024x128xf32>
    %get3A_10 = arith.constant 0 : index
    %get3A_11 = arith.constant 0 : index
    %get3A_12 = arith.constant 0 : index
    %get3A_13 = vector.load %arg2[%get3A_10, %get3A_11, %get3A_12] : memref<2x1024x128xf32, #tpu.memory_space<vmem>>, vector<1x1024x128xf32>
    %get3A_14 = vector.shape_cast %get3A_13 : vector<1x1024x128xf32> to vector<1024x128xf32>
    %add3A = arith.addf %get3A_9, %get3A_14 : vector<1024x128xf32>
    %mul3A = vector.broadcast %get3A_1 : vector<1024x1xf32> to vector<1024x128xf32>
    %mul3A_15 = arith.mulf %add3A, %mul3A : vector<1024x128xf32>
    %slice3A = vector.extract_strided_slice %get3A_4 {offsets = [0, 0], sizes = [1, 128], strides = [1, 1]} : vector<1x256xf32> to vector<1x128xf32>
    %add3A_16 = vector.broadcast %slice3A : vector<1x128xf32> to vector<1024x128xf32>
    %add3A_17 = arith.addf %mul3A_15, %add3A_16 : vector<1024x128xf32>
    %get3A_18 = arith.constant 1 : index
    %get3A_19 = arith.constant 0 : index
    %get3A_20 = arith.constant 0 : index
    %get3A_21 = vector.load %arg1[%get3A_18, %get3A_19, %get3A_20] : memref<2x1024x128xf32, #tpu.memory_space<vmem>>, vector<1x1024x128xf32>
    %get3A_22 = vector.shape_cast %get3A_21 : vector<1x1024x128xf32> to vector<1024x128xf32>
    %get3A_23 = arith.constant 1 : index
    %get3A_24 = arith.constant 0 : index
    %get3A_25 = arith.constant 0 : index
    %get3A_26 = vector.load %arg2[%get3A_23, %get3A_24, %get3A_25] : memref<2x1024x128xf32, #tpu.memory_space<vmem>>, vector<1x1024x128xf32>
    %get3A_27 = vector.shape_cast %get3A_26 : vector<1x1024x128xf32> to vector<1024x128xf32>
    %add3A_28 = arith.addf %get3A_22, %get3A_27 : vector<1024x128xf32>
    %mul3A_29 = vector.broadcast %get3A_1 : vector<1024x1xf32> to vector<1024x128xf32>
    %mul3A_30 = arith.mulf %add3A_28, %mul3A_29 : vector<1024x128xf32>
    %slice3A_31 = vector.extract_strided_slice %get3A_4 {offsets = [0, 128], sizes = [1, 128], strides = [1, 1]} : vector<1x256xf32> to vector<1x128xf32>
    %add3A_32 = vector.broadcast %slice3A_31 : vector<1x128xf32> to vector<1024x128xf32>
    %add3A_33 = arith.addf %mul3A_30, %add3A_32 : vector<1024x128xf32>
    %concatenate3A = tpu.concatenate %add3A_17, %add3A_33 in 1 : vector<1024x128xf32>, vector<1024x128xf32> -> vector<1024x256xf32>
    %max3A = arith.constant 0.000000e+00 : f32
    %max3A_34 = vector.broadcast %max3A : f32 to vector<1024x256xf32>
    %max3A_35 = arith.maximumf %concatenate3A, %max3A_34 : vector<1024x256xf32>
    %get3A_36 = arith.constant 0 : index
    %get3A_37 = arith.constant 0 : index
    %get3A_38 = vector.load %arg5[%get3A_36, %get3A_37] : memref<256x128xf32, #tpu.memory_space<vmem>>, vector<256x128xf32>
    %dot_general3A = arith.constant dense<0.000000e+00> : vector<1024x128xf32>
    %dot_general3A_39 = tpu.matmul %max3A_35, %get3A_38, %dot_general3A {dimension_numbers = #tpu.dot_dimension_numbers<[1], [0], [0], [1], [0, 0, 1, 1], [], []>, transpose_lhs_hint = false} : vector<1024x256xf32>, vector<256x128xf32>, vector<1024x128xf32> -> vector<1024x128xf32>
    %mul3A_40 = vector.broadcast %get3A_1 : vector<1024x1xf32> to vector<1024x128xf32>
    %mul3A_41 = arith.mulf %dot_general3A_39, %mul3A_40 : vector<1024x128xf32>
    %swap3A = arith.constant 0 : index
    %swap3A_42 = arith.constant 0 : index
    %swap3A_43 = vector.load %arg6[%swap3A, %swap3A_42] : memref<1024x128xf32, #tpu.memory_space<vmem>>, vector<1024x128xf32>
    tpu.vector_store %arg6[%swap3A, %swap3A_42], %mul3A_41 {strides = array<i32>} : memref<1024x128xf32, #tpu.memory_space<vmem>>, vector<1024x128xf32>,
    return
  }
  func.func @transform_0(%arg0: i32) -> (i32, i32, i32) {
    %c0_i32 = arith.constant 0 : i32
    %c0_i32_0 = arith.constant 0 : i32
    %c0_i32_1 = arith.constant 0 : i32
    return %c0_i32, %arg0, %c0_i32_0 : i32, i32, i32
  }
  func.func @transform_1(%arg0: i32) -> (i32, i32, i32) {
    %c0_i32 = arith.constant 0 : i32
    %c0_i32_0 = arith.constant 0 : i32
    %c0_i32_1 = arith.constant 0 : i32
    return %c0_i32, %arg0, %c0_i32_0 : i32, i32, i32
  }
  func.func @transform_2(%arg0: i32) -> (i32, i32) {
    %c0_i32 = arith.constant 0 : i32
    %c0_i32_0 = arith.constant 0 : i32
    return %arg0, %c0_i32 : i32, i32
  }
  func.func @transform_3(%arg0: i32) -> (i32, i32) {
    %c0_i32 = arith.constant 0 : i32
    %c0_i32_0 = arith.constant 0 : i32
    %c0_i32_1 = arith.constant 0 : i32
    return %c0_i32, %c0_i32_0 : i32, i32
  }
  func.func @transform_4(%arg0: i32) -> (i32, i32) {
    %c0_i32 = arith.constant 0 : i32
    %c0_i32_0 = arith.constant 0 : i32
    %c0_i32_1 = arith.constant 0 : i32
    return %c0_i32, %c0_i32_0 : i32, i32
  }
  func.func @transform_5(%arg0: i32) -> (i32, i32) {
    %c0_i32 = arith.constant 0 : i32
    %c0_i32_0 = arith.constant 0 : i32
    return %arg0, %c0_i32 : i32, i32
  }
}

module attributes {stable_mosaic.version = 14 : i64} {
  func.func @body(%arg0: i32, %arg1: memref<2x1024x128xf32, #tpu.memory_space<vmem>>, %arg2: memref<1024x128xf32, #tpu.memory_space<vmem>>, %arg3: memref<1024x1xf32, #tpu.memory_space<vmem>>, %arg4: memref<1x128xf32, #tpu.memory_space<vmem>>, %arg5: memref<1024x128xf32, #tpu.memory_space<vmem>>) attributes {dimension_semantics = [#tpu.dimension_semantics<arbitrary>], iteration_bounds = array<i64: 10>, scalar_prefetch = 0 : i64, scratch_operands = 0 : i64, tpu.core_type = #tpu.core_type<tc>, window_params = [{transform_indices = @transform_0, window_bounds = array<i64: 2, 1024, 128>}, {transform_indices = @transform_1, window_bounds = array<i64: 1024, 128>}, {transform_indices = @transform_2, window_bounds = array<i64: 1024, 1>}, {pipeline_mode = #tpu.pipeline_mode<synchronous>, transform_indices = @transform_3, window_bounds = array<i64: 1, 128>}, {transform_indices = @transform_4, window_bounds = array<i64: 1024, 128>}]} {
    %get3A = arith.constant 0 : index
    %get3A_0 = arith.constant 0 : index
    %get3A_1 = vector.load %arg3[%get3A, %get3A_0] : memref<1024x1xf32, #tpu.memory_space<vmem>>, vector<1024x1xf32>
    %get3A_2 = arith.constant 0 : index
    %get3A_3 = arith.constant 0 : index
    %get3A_4 = arith.constant 0 : index
    %get3A_5 = vector.load %arg1[%get3A_2, %get3A_3, %get3A_4] : memref<2x1024x128xf32, #tpu.memory_space<vmem>>, vector<1x1024x128xf32>
    %get3A_6 = vector.shape_cast %get3A_5 : vector<1x1024x128xf32> to vector<1024x128xf32>
    %get3A_7 = arith.constant 1 : index
    %get3A_8 = arith.constant 0 : index
    %get3A_9 = arith.constant 0 : index
    %get3A_10 = vector.load %arg1[%get3A_7, %get3A_8, %get3A_9] : memref<2x1024x128xf32, #tpu.memory_space<vmem>>, vector<1x1024x128xf32>
    %get3A_11 = vector.shape_cast %get3A_10 : vector<1x1024x128xf32> to vector<1024x128xf32>
    %add3A = arith.addf %get3A_6, %get3A_11 : vector<1024x128xf32>
    %get3A_12 = arith.constant 0 : index
    %get3A_13 = arith.constant 0 : index
    %get3A_14 = vector.load %arg2[%get3A_12, %get3A_13] : memref<1024x128xf32, #tpu.memory_space<vmem>>, vector<1024x128xf32>
    %add3A_15 = arith.addf %add3A, %get3A_14 : vector<1024x128xf32>
    %mul3A = vector.broadcast %get3A_1 : vector<1024x1xf32> to vector<1024x128xf32>
    %mul3A_16 = arith.mulf %add3A_15, %mul3A : vector<1024x128xf32>
    %get3A_17 = arith.constant 0 : index
    %get3A_18 = arith.constant 0 : index
    %get3A_19 = vector.load %arg4[%get3A_17, %get3A_18] : memref<1x128xf32, #tpu.memory_space<vmem>>, vector<1x128xf32>
    %add3A_20 = vector.broadcast %get3A_19 : vector<1x128xf32> to vector<1024x128xf32>
    %add3A_21 = arith.addf %mul3A_16, %add3A_20 : vector<1024x128xf32>
    %swap3A = arith.constant 0 : index
    %swap3A_22 = arith.constant 0 : index
    %swap3A_23 = vector.load %arg5[%swap3A, %swap3A_22] : memref<1024x128xf32, #tpu.memory_space<vmem>>, vector<1024x128xf32>
    tpu.vector_store %arg5[%swap3A, %swap3A_22], %add3A_21 {strides = array<i32>} : memref<1024x128xf32, #tpu.memory_space<vmem>>, vector<1024x128xf32>,
    return
  }
  func.func @transform_0(%arg0: i32) -> (i32, i32, i32) {
    %c0_i32 = arith.constant 0 : i32
    %c0_i32_0 = arith.constant 0 : i32
    %c0_i32_1 = arith.constant 0 : i32
    return %c0_i32, %arg0, %c0_i32_0 : i32, i32, i32
  }
  func.func @transform_1(%arg0: i32) -> (i32, i32) {
    %c0_i32 = arith.constant 0 : i32
    %c0_i32_0 = arith.constant 0 : i32
    return %arg0, %c0_i32 : i32, i32
  }
  func.func @transform_2(%arg0: i32) -> (i32, i32) {
    %c0_i32 = arith.constant 0 : i32
    %c0_i32_0 = arith.constant 0 : i32
    return %arg0, %c0_i32 : i32, i32
  }
  func.func @transform_3(%arg0: i32) -> (i32, i32) {
    %c0_i32 = arith.constant 0 : i32
    %c0_i32_0 = arith.constant 0 : i32
    %c0_i32_1 = arith.constant 0 : i32
    return %c0_i32, %c0_i32_0 : i32, i32
  }
  func.func @transform_4(%arg0: i32) -> (i32, i32) {
    %c0_i32 = arith.constant 0 : i32
    %c0_i32_0 = arith.constant 0 : i32
    return %arg0, %c0_i32 : i32, i32
  }
}

</mosaic_0001>

<sc_bundles>
// kernel: kernel.10.cloned.1.call-start
scs
__scs_entry_jumppad:
0x0: {  	(pc) =	sbr.rel $0x88, $3  }
0x1: {  	(tag) =	ssettag $0x0;
	lr =	simm.s32 $0x1  }
0x2: {  	[smem:$0x3F99] =	sst lr;
	_ =	strace $0xD0000000  }
0x3: {  	_ = 	snop  }
0x4: {  	_ = 	snop  }
0x5: {  	_ = 	snop  }
0x6: {  	_ = 	snop  }
0x7: {  	_ = 	snop  }
__scs_overlays_trampoline_lowered:
0x8: {  	[smem:$0x3FA8] =	sst s0  }
0x9: {  	[smem:$0x3FA9] =	sst s1  }
0xa: {  	[smem:$0x3FAA] =	sst s2  }
0xb: {  	[smem:$0x3FAB] =	sst s3  }
0xc: {  	[smem:$0x3FAC] =	sst s4  }
0xd: {  	[smem:$0x3FAD] =	sst s5  }
0xe: {  	[smem:$0x3FAE] =	sst s6  }
0xf: {  	[smem:$0x3FAF] =	sst s7  }
0x10: {  	[smem:$0x3FB0] =	sst s8  }
0x11: {  	[smem:$0x3FB1] =	sst s9;
	s0 =	simm.s32 @!p0 $0x0  }
0x12: {  	s1 =	sld [smem:$0x3F97];
	s0 =	simm.s32 @p0 $0x1  }
0x13: {  	[smem:$0x3FB2] =	sst s0;
	s0 =	simm.s32 @!p1 $0x0  }
0x14: {  	s2 =	sld [smem:$0x3F96];
	s0 =	simm.s32 @p1 $0x1  }
0x15: {  	[smem:$0x3FB3] =	sst s0;
	s0 =	simm.s32 @!p2 $0x0  }
0x16: {  	s3 =	sld [smem:$0x3FDB];
	s0 =	simm.s32 @p2 $0x1  }
0x17: {  	s4 =	simm.s32 $0x1BF5;
	[smem:$0x3FB5] =	sst s0  }
0x18: {  	s0 =	sld [smem:$0x3F98];
	_ =	swait.ge [sflag:s4], $0x0  }
0x19: {  	s7 =	sld [smem:$0x3F99]  }
0x1a: {  	s8 =	sadd.s32 $0xFFFFE003, lr  }
0x1b: {  	s9 =	sadd.s32 $0xFFFFFEF7, lr;
	s5 =	simm.s32 $0xFFFFFFFF;
	p2 =	slt.u32 s8, $0xFFFFF086  }
0x1c: {  	p1 =	slt.u32 s9, $0xF7A;
	s5 =	simm.s32 @!p2 $0x0  }
0x1d: {  	s5 =	simm.s32 @p1 $0x1;
	p0 =	seq.s32 s7, s2  }
0x1e: {  	s7 =	smul.u32 @!p0 $0xF7A, s2;
	p2 =	seq.s32 @!p0 s5, $0x0  }
0x1f: {  	s9 =	smul.u32 $0xF7A, s1;
	s8 =	simm.s32 @!p0 $0x1BF5;
	p2 =	por !p2, p0  }
0x20: {  	[sflag:s8] =	ssyncset.s32 @!p0 $0xFFFFF086;
	s6 =	sadd.s32 @!p0 s3, s7;
	s7 =	simm.s32 @!p0 $0x108  }
0x21: {  	s3 =	sadd.s32 s3, s9;
	s6 =	sadd.s32 @!p0 $0x88, s6;
	s7 =	simm.s32 @p2 $0x1082  }
0x22: {  	[simem:s7], [sflag:s8] =	dma.local @!p0 [hbm:s6], $0xF7A  }
0x23: {  	s9 =	sor.u32 $0xD0000000, s2;
	s6 =	simm.s32 $0x108;
	_ =	swait.ge @!p0 [sflag:s8], $0x0  }
0x24: {  	s3 =	sadd.s32 $0x88, s3;
	s6 =	simm.s32 @!p1 $0x1082;
	[sflag:s4] =	ssyncset.s32 $0xFFFFF086  }
0x25: {  	[simem:s6], [sflag:s4] =	dma.local [hbm:s3], $0xF7A  }
0x26: {  	[smem:$0x3F99] =	sst s1;
	(tag) =	ssettag s2;
	_ =	strace s9  }
0x27: {  	s1 =	sld [smem:$0x3FA9]  }
0x28: {  	s2 =	sld [smem:$0x3FAA]  }
0x29: {  	s4 =	sld [smem:$0x3FAC]  }
0x2a: {  	p0 =	seq.s32 s5, $0x0;
	s5 =	sld [smem:$0x3FAD]  }
0x2b: {  	s6 =	sld [smem:$0x3FAE]  }
0x2c: {  	s7 =	sld [smem:$0x3FAF]  }
0x2d: {  	s3 =	simm.s32 $0x108;
	s8 =	sld [smem:$0x3FB0]  }
0x2e: {  	s3 =	simm.s32 @!p0 $0x1082;
	s9 =	sld [smem:$0x3FB1]  }
0x2f: {  	lr =	sadd.s32 s0, s3;
	s0 =	sld [smem:$0x3FA8]  }
0x30: {  	s3 =	sld [smem:$0x3FAB]  }
0x31: {  	[smem:$0x3FB4] =	sst s10  }
0x32: {  	s10 =	sld [smem:$0x3FB2];
	_ =	sdelay $0x3  }
0x33: {  	p0 =	seq.s32 s10, $0x1;
	s10 =	sld [smem:$0x3FB4];
	_ =	sdelay $0x3  }
0x34: {  	[smem:$0x3FB4] =	sst s10  }
0x35: {  	s10 =	sld [smem:$0x3FB3];
	_ =	sdelay $0x3  }
0x36: {  	p1 =	seq.s32 s10, $0x1;
	s10 =	sld [smem:$0x3FB4];
	_ =	sdelay $0x3  }
0x37: {  	[smem:$0x3FB4] =	sst s10  }
0x38: {  	s10 =	sld [smem:$0x3FB5]  }
0x39: {  	_ = 	snop;
	(pc) =	sbr.ind lr, $3  }
0x3a: {  	_ = 	snop  }
0x3b: {  	_ = 	snop  }
0x3c: {  	p2 =	seq.s32 s10, $0x1;
	s10 =	sld [smem:$0x3FB4]  }
0x3d: {  	_ =	shalt  }
0x3e: {  	_ =	shalt  }
0x3f: {  	_ =	shalt  }
0x40: {  	_ =	shalt  }
0x41: {  	_ =	shalt  }
0x42: {  	_ =	shalt  }
0x43: {  	_ =	shalt  }
0x44: {  	_ =	shalt  }
0x45: {  	_ =	shalt  }
0x46: {  	_ =	shalt  }
0x47: {  	_ =	shalt  }
0x48: {  	_ =	shalt  }
0x49: {  	_ =	shalt  }
0x4a: {  	_ =	shalt  }
0x4b: {  	_ =	shalt  }
0x4c: {  	_ =	shalt  }
0x4d: {  	_ =	shalt  }
0x4e: {  	_ =	shalt  }
0x4f: {  	_ =	shalt  }
0x50: {  	_ =	shalt  }
0x51: {  	_ =	shalt  }
0x52: {  	_ =	shalt  }
0x53: {  	_ =	shalt  }
0x54: {  	_ =	shalt  }
0x55: {  	_ =	shalt  }
0x56: {  	_ =	shalt  }
0x57: {  	_ =	shalt  }
0x58: {  	_ =	shalt  }
0x59: {  	_ =	shalt  }
0x5a: {  	_ =	shalt  }
0x5b: {  	_ =	shalt  }
0x5c: {  	_ =	shalt  }
0x5d: {  	_ =	shalt  }
0x5e: {  	_ =	shalt  }
0x5f: {  	_ =	shalt  }
0x60: {  	_ =	shalt  }
0x61: {  	_ =	shalt  }
0x62: {  	_ =	shalt  }
0x63: {  	_ =	shalt  }
0x64: {  	_ =	shalt  }
0x65: {  	_ =	shalt  }
0x66: {  	_ =	shalt  }
0x67: {  	_ =	shalt  }
0x68: {  	_ =	shalt  }
0x69: {  	_ =	shalt  }
0x6a: {  	_ =	shalt  }
0x6b: {  	_ =	shalt  }
0x6c: {  	_ =	shalt  }
0x6d: {  	_ =	shalt  }
0x6e: {  	_ =	shalt  }
0x6f: {  	_ =	shalt  }
0x70: {  	_ =	shalt  }
0x71: {  	_ =	shalt  }
0x72: {  	_ =	shalt  }
0x73: {  	_ =	shalt  }
0x74: {  	_ =	shalt  }
0x75: {  	_ =	shalt  }
0x76: {  	_ =	shalt  }
0x77: {  	_ =	shalt  }
0x78: {  	_ =	shalt  }
0x79: {  	_ =	shalt  }
0x7a: {  	_ =	shalt  }
0x7b: {  	_ =	shalt  }
0x7c: {  	_ =	shalt  }
0x7d: {  	_ =	shalt  }
0x7e: {  	_ =	shalt  }
0x7f: {  	_ =	shalt  }
0x80: {  	_ =	shalt  }
0x81: {  	_ =	shalt  }
0x82: {  	_ =	shalt  }
0x83: {  	_ =	shalt  }
0x84: {  	_ =	shalt  }
0x85: {  	_ =	shalt  }
0x86: {  	_ =	shalt  }
0x87: {  	_ =	shalt  }
.Lfunc_end0:
.L_simem_size_0:
called_computation_lowered:
.L_overlay_start_0:
0x88: {  	s2 =	sld [smem:$0x3FD9]  }
0x89: {  	s3 =	sld [smem:$0x3FFE];
	_ =	sdelay $0x1  }
0x8a: {  	s1 =	srdreg.scid  }
0x8b: {  	s0 =	sand.u32 $0x1, s1  }
0x8c: {  	s16 =	sshll.u32 s0, $0xA;
	s2 =	sadd.s32 s3, s2  }
0x8d: {  	s2 =	sadd.s32 s2, s16  }
0x8e: {  	[smem:$0x3FC0] =	sst s2  }
0x8f: {  	_ = 	snop  }
0x90: {  	(tm) =	ssettm $0x1  }
0x91: {  	s17 =	sld [smem:$0x3FFB];
	_ =	sdelay $0x3  }
0x92: {  	_ =	strace s17  }
0x93: {  	s2 =	sld [smem:$0x3FFC];
	_ =	sdelay $0x3  }
0x94: {  	_ =	strace s2  }
0x95: {  	s2 =	sld [smem:$0x3FFD];
	_ =	sdelay $0x3  }
0x96: {  	_ =	strace s2  }
0x97: {  	_ =	strace $0x8FFFFFFF  }
0x98: {  	s18 =	sld [smem:$0x3FDB];
	_ =	sdelay $0x1  }
0x99: {  	s19 =	simm.s32 $_scs_section_size  }
0x9a: {  	s4 =	simm.s32 $_size__tile_overlayer_lowered;
	s5 =	simm.s32 $_tile_overlayer_lowered  }
0x9b: {  	s22 =	simm.s32 $0x1BFF;
	s21 =	sshll.u32 s5, $0x1;
	s2 =	sadd.s32 s19, s18  }
0x9c: {  	s6 =	simm.s32 $0x0;
	s20 =	sshll.u32 s4, $0x1;
	s4 =	sadd.s32 s21, s2  }
0x9d: {  	[timem:s6], [sflag:s22] =	dma.local [hbm:s4], s20  }
0x9e: {  	_ =	swait.ge [sflag:s22], s20  }
0x9f: {  	s3 =	ssub.s32 $0x0, s20;
	[sflag:s22] =	ssyncset.done $0x0  }
0xa0: {  	[sflag:s22] =	ssyncadd.s32 s3;
	_ =	sdelay $0x1  }
0xa1: {  	s23 =	simm.s32 $0x1B8B  }
0xa2: {  	_ =	swait.ge [sflag:s23], $0x1  }
0xa3: {  	[sflag:s23] =	ssyncset.done $0x0  }
0xa4: {  	s25 =	simm.s32 $0x1B8E;
	s24 =	sld [smem:$0x3FFE];
	[sflag:s23] =	ssyncadd.s32 $0xFFFFFFFF  }
0xa5: {  	s26 =	simm.s32 $execute0_lowered;
	[smem:$0x3FD2] =	sst s25  }
0xa6: {  	s4 =	sshll.u32 s26, $0x1;
	_ =	strace $0x80000046;
	[dreg:$0x1] =	wrdreg $0xFFFFFFFF  }
0xa7: {  	s28 =	simm.s32 $_size_execute0_lowered;
	s2 =	sadd.s32 s2, s4;
	[dreg:$0x0] =	wrdreg $0x0  }
0xa8: {  	s4 =	sshll.u32 s28, $0x1;
	[dreg:$0x2] =	wrdreg s2  }
0xa9: {  	[dreg:$0x3] =	wrdreg s4  }
0xaa: {  	[dreg:$0x4] =	wrdreg $0xC0  }
0xab: {  	_ =	task [dreg:s6], $0x5FFFF  }
0xac: {  	[dreg:$0x1] =	wrdreg $0xFFFFFFFF  }
0xad: {  	[dreg:$0x0] =	wrdreg $0x60  }
0xae: {  	[dreg:$0x2] =	wrdreg s24  }
0xaf: {  	[dreg:$0x3] =	wrdreg $0x20000  }
0xb0: {  	[dreg:$0x4] =	wrdreg $0x9  }
0xb1: {  	_ =	task.clear_ibuf [dreg:s6], $0x5FFFF;
	_ =	strace $0x90000046  }
0xb2: {  	s29 =	simm.s32 $0x9;
	_ =	strace $0x80000048  }
0xb3: {  	_ =	swait.ge [sflag:s29], $0x1  }
0xb4: {  	[sflag:s29] =	ssyncadd.s32 $0xFFFFFFFF  }
0xb5: {  	_ =	strace $0x90000048  }
0xb6: {  	_ =	sfence  }
0xb7: {  	s30 =	sld [smem:$0x0];
	_ =	sdelay $0x2  }
0xb8: {  	s31 =	sshll.u32 s1, $0xD;
	s1 =	sshrl.u32 s1, $0x2  }
0xb9: {  	s3 =	sand.u32 $0x4000, s31;
	s1 =	sadd.s32 s1, s30  }
0xba: {  	s0 =	sor.u32 s3, s0;
	s1 =	sshll.u32 s1, $0x11  }
0xbb: {  	s0 =	sor.u32 s1, s0  }
0xbc: {  	s0 =	sadd.s32 $0x8F2B, s0  }
0xbd: {  	[sflag:s0] =	ssyncadd.remote.s32 $0x1  }
0xbe: {  	_ =	sfence.sel $0xFFFF  }
0xbf: {  	[dreg:$0x0] =	wrdreg $0xFFFFFFFF;
	(pc) =	sbr.abs _section_cstart, $3  }
0xc0: {  	[dreg:$0x1] =	wrdreg $0xFFFFFFFF  }
0xc1: {  	_ =	task.clear_ibuf [dreg:s6], $0x2FFFF;
	_ =	strace $0x9FFFFFFF  }
0xc2: {  	(tm) =	ssettm $0x7FFFFFFF  }
0xc3: {  	_ =	shalt  }
tec
execute0_lowered:
.L_overlay_start_1:
0x0: {  	(tag) =	ssettag $0x1  }
0x1: {  	s1 =	srdreg.scid  }
0x2: {  	s0 =	stileid.u32;
	s6 =	rddreg [dreg:$0x0]  }
0x3: {  	s2 =	rddreg [dreg:$0x1];
	s3 =	simm.s32 $0x0;
	s19 =	simm.s32 $0x1400  }
0x4: {  	s20 =	simm.s32 $0x1;
	s21 =	simm.s32 $0x1C00;
	s22 =	simm.s32 $0x80  }
0x5: {  	s25 =	simm.s32 $0x0;
	s5 =	sand.u32 $0x1, s1;
	s1 =	rddreg [dreg:$0x2]  }
0x6: {  	s29 =	sshll.u32 s0, $0x1;
	[smem:$0x7FF] =	sst s3;
	s9 =	smul.u32 $0x500, s0  }
0x7: {  	s11 =	smul.u32 $0xA000, s0;
	s23 =	sshll.u32 s0, $0x6;
	s4 =	sor.u32 s5, s29  }
0x8: {  	s7 =	smul.u32 $0x5000, s5;
	_ =	strace $0x80000047;
	s10 =	ssub.s32 $0x2, s5  }
0x9: {  	s5 =	sadd.s32 $0x7000, s6;
	s23 =	sor.u32 $0x1C01, s23;
	s4 =	smul.u32 $0x280, s4  }
0xa: {  	s30 =	sshrl.u32 s10, $0x1;
	s31 =	sshrl.u32 s11, $0x2;
	s7 =	sadd.s32 s9, s7  }
0xb: {  	s9 =	ssub.s32 s10, s30;
	s8 =	sadd.s32 s4, s6;
	s4 =	sadd.s32 $0x6E00, s6  }
0xc: {  	s12 =	sadd.s32 s7, s6;
	s6 =	sadd.s32 s31, s2;
	s9 =	smax.u32 s9, $0x1  }
0xd: {  	s7 =	sadd.s32 $0x1E00, s8;
	s8 =	sadd.s32 $0x7200, s12;
	s10 =	sadd.s32 $0x400, s6  }
0xe: {  	s11 =	sadd.s32 $0x800, s6;
	s12 =	sadd.s32 $0xC00, s6;
	s13 =	sadd.s32 $0x1000, s6  }
0xf: {  	s14 =	sadd.s32 $0x1400, s6;
	s15 =	sadd.s32 $0x1800, s6;
	s16 =	sadd.s32 $0x1C00, s6  }
0x10: {  	s17 =	sadd.s32 $0x2000, s6;
	s18 =	sadd.s32 $0x2400, s6;
	s24 =	sshrl.u32 s6, $0x3  }
.LBB2_1:
0x11: {  	[tilespmem:s19], [sflag:$0x1] =	stream.linear.gather [hbm4b:s4+s3], $0x800, $0x38;
	[tilespmem:$0x4800] =	vst v63  }
0x12: {  	_ =	swait.ge [sflag:s20], $0x800  }
0x13: {  	[sflag:s20] =	ssyncset.done $0x0  }
0x14: {  	[sflag:s20] =	ssyncadd.s32 $0xFFFFF800  }
0x15: {  	[tilespmem:s21], [sflag:$0x1] =	stream.linear.gather [hbm4b:s5+s3], $0x400, $0x38;
	[tilespmem:$0x4800] =	vst v63  }
0x16: {  	_ =	swait.ge [sflag:s20], $0x400  }
0x17: {  	[sflag:s20] =	ssyncset.done $0x0  }
0x18: {  	[sflag:s20] =	ssyncadd.s32 $0xFFFFFC00  }
0x19: {  	[spmem:s6] =	stream.linear.scatter [tilespmem:s21], [sflag:$0x1], $0x400, $0x38;
	[tilespmem:$0x4800] =	vst v63  }
0x1a: {  	_ =	swait.ge [sflag:s20], $0x400  }
0x1b: {  	[sflag:s20] =	ssyncset.done $0x0  }
0x1c: {  	[sflag:s20] =	ssyncadd.s32 $0xFFFFFC00  }
0x1d: {  	[spmem:s10] =	stream.linear.scatter [tilespmem:s21], [sflag:$0x1], $0x400, $0x38;
	[tilespmem:$0x4800] =	vst v63  }
0x1e: {  	_ =	swait.ge [sflag:s20], $0x400  }
0x1f: {  	[sflag:s20] =	ssyncset.done $0x0  }
0x20: {  	[sflag:s20] =	ssyncadd.s32 $0xFFFFFC00  }
0x21: {  	[spmem:s11] =	stream.linear.scatter [tilespmem:s21], [sflag:$0x1], $0x400, $0x38;
	[tilespmem:$0x4800] =	vst v63  }
0x22: {  	_ =	swait.ge [sflag:s20], $0x400  }
0x23: {  	[sflag:s20] =	ssyncset.done $0x0  }
0x24: {  	[sflag:s20] =	ssyncadd.s32 $0xFFFFFC00  }
0x25: {  	[spmem:s12] =	stream.linear.scatter [tilespmem:s21], [sflag:$0x1], $0x400, $0x38;
	[tilespmem:$0x4800] =	vst v63  }
0x26: {  	_ =	swait.ge [sflag:s20], $0x400  }
0x27: {  	[sflag:s20] =	ssyncset.done $0x0  }
0x28: {  	[sflag:s20] =	ssyncadd.s32 $0xFFFFFC00  }
0x29: {  	[spmem:s13] =	stream.linear.scatter [tilespmem:s21], [sflag:$0x1], $0x400, $0x38;
	[tilespmem:$0x4800] =	vst v63  }
0x2a: {  	_ =	swait.ge [sflag:s20], $0x400  }
0x2b: {  	[sflag:s20] =	ssyncset.done $0x0  }
0x2c: {  	[sflag:s20] =	ssyncadd.s32 $0xFFFFFC00  }
0x2d: {  	[spmem:s14] =	stream.linear.scatter [tilespmem:s21], [sflag:$0x1], $0x400, $0x38;
	[tilespmem:$0x4800] =	vst v63  }
0x2e: {  	_ =	swait.ge [sflag:s20], $0x400  }
0x2f: {  	[sflag:s20] =	ssyncset.done $0x0  }
0x30: {  	[sflag:s20] =	ssyncadd.s32 $0xFFFFFC00  }
0x31: {  	[spmem:s15] =	stream.linear.scatter [tilespmem:s21], [sflag:$0x1], $0x400, $0x38;
	[tilespmem:$0x4800] =	vst v63  }
0x32: {  	_ =	swait.ge [sflag:s20], $0x400  }
0x33: {  	[sflag:s20] =	ssyncset.done $0x0  }
0x34: {  	[sflag:s20] =	ssyncadd.s32 $0xFFFFFC00  }
0x35: {  	[spmem:s16] =	stream.linear.scatter [tilespmem:s21], [sflag:$0x1], $0x400, $0x38;
	[tilespmem:$0x4800] =	vst v63  }
0x36: {  	_ =	swait.ge [sflag:s20], $0x400  }
0x37: {  	[sflag:s20] =	ssyncset.done $0x0  }
0x38: {  	[sflag:s20] =	ssyncadd.s32 $0xFFFFFC00  }
0x39: {  	[spmem:s17] =	stream.linear.scatter [tilespmem:s21], [sflag:$0x1], $0x400, $0x38;
	[tilespmem:$0x4800] =	vst v63  }
0x3a: {  	_ =	swait.ge [sflag:s20], $0x400  }
0x3b: {  	[sflag:s20] =	ssyncset.done $0x0  }
0x3c: {  	[sflag:s20] =	ssyncadd.s32 $0xFFFFFC00  }
0x3d: {  	[spmem:s18] =	stream.linear.scatter [tilespmem:s21], [sflag:$0x1], $0x400, $0x38;
	[tilespmem:$0x4800] =	vst v63  }
0x3e: {  	_ =	swait.ge [sflag:s20], $0x400  }
0x3f: {  	[sflag:s20] =	ssyncset.done $0x0  }
0x40: {  	[sflag:s20] =	ssyncadd.s32 $0xFFFFFC00  }
0x41: {  	[tilespmem:s3], [sflag:$0x1] =	stream.linear.gather [hbm4b:s7+s3], $0x1400, $0x38;
	[tilespmem:$0x4800] =	vst v63  }
0x42: {  	_ =	swait.ge [sflag:s20], $0x1400  }
0x43: {  	[sflag:s20] =	ssyncset.done $0x0  }
0x44: {  	[sflag:s20] =	ssyncadd.s32 $0xFFFFEC00  }
0x45: {  	s26 =	simm.s32 $0x0;
	[bflag:$0x0] =	sbarrier.arrive $0xFFFF  }
0x46: {  	[spmem:s2] =	stream.indirect.scatter.add.f32 [tilespmem:s19], [sflag:$0x1], $0x10, s26, s22, $0xb8;
	[tilespmem:$0x4800] =	vst v63  }
0x47: {  	_ =	swait.ge [sflag:s20], $0x800  }
0x48: {  	s26 =	simm.s32 $0x200;
	[sflag:s20] =	ssyncset.done $0x0  }
.LBB2_2:
0x49: {  	s28 =	sshra.s32 s26, $0x2;
	[sflag:s20] =	ssyncadd.s32 $0xFFFFF800;
	p0 =	sne.s32 s26, $0x4E00  }
0x4a: {  	[spmem:s2] =	stream.indirect.scatter.add.f32 [tilespmem:s19], [sflag:$0x1], $0x10, s28, s22, $0xb8;
	[tilespmem:$0x4800] =	vst v63  }
.Ltmp0:
0x4b: {  	_ = 	snop;
	(pc) =	sbr.rel @p0 .LBB2_2-.Ltmp0, $4  }
0x4c: {  	_ = 	snop  }
0x4d: {  	s26 =	sadd.s32 $0x200, s26  }
0x4e: {  	_ =	swait.ge [sflag:s20], $0x800  }
0x4f: {  	[sflag:s20] =	ssyncset.done $0x0  }
0x50: {  	s25 =	sadd.s32 $0x1, s25  }
0x51: {  	[sflag:s20] =	ssyncadd.s32 $0xFFFFF800;
	p0 =	sne.s32 s25, s9  }
.Ltmp1:
0x52: {  	[bflag:$0x0] =	sbarrier.arrive $0xFFFF;
	(pc) =	sbr.rel @p0 .LBB2_1-.Ltmp1, $4  }
0x53: {  	[hbm:s8], [sflag:s23] =	dma.local [spmem:s24], $0x500  }
0x54: {  	_ =	swait.ge [sflag:s20], $0x500  }
0x55: {  	[sflag:s20] =	ssyncset.done $0x0  }
0x56: {  	[sflag:s20] =	ssyncadd.s32 $0xFFFFFB00  }
0x57: {  	_ =	sfence.sel $0x180000  }
0x58: {  	[bflag:$0x0] =	sbarrier.arrive $0xFFFF  }
0x59: {  	p0 =	sne.s32 s0, $0x0;
	_ =	strace $0x90000047  }
0x5a: {  	s0 =	sadd.s32 @!p0 $0x100000, s1;
	[bflag:$0x2] =	sbarrier.arrive $0xFFFF  }
0x5b: {  	[sflag:s0] =	ssyncadd.tile.s32 @!p0 $0x1;
	_ =	shalt  }
.Lfunc_end2:
_tile_overlayer_lowered:
.L_overlay_start_2:
0x5c: {  	(tag) =	ssettag $0x2  }
0x5d: {  	s0 =	rddreg [dreg:$0x0];
	s2 =	stileid.u32  }
0x5e: {  	s1 =	rddreg [dreg:$0x1];
	p0 =	sne.s32 s2, $0x0  }
0x5f: {  	s3 =	rddreg [dreg:$0x2];
	[bflag:$0x3] =	sbarrier.arrive $0xFFFF;
	s2 =	simm.s32 @!p0 $0x1C01  }
0x60: {  	[timem:s3], [sflag:s2] =	dma.local @!p0 [hbm:s0], s1  }
0x61: {  	s0 =	simm.s32 @!p0 $0x1  }
0x62: {  	_ =	swait.ge @!p0 [sflag:s0], s1  }
0x63: {  	s1 =	ssub.s32 @!p0 $0x0, s1;
	[sflag:s0] =	ssyncset.done @!p0 $0x0  }
0x64: {  	[sflag:s0] =	ssyncadd.s32 @!p0 s1  }
0x65: {  	[bflag:$0x3] =	sbarrier.arrive $0xFFFF  }
0x66: {  	_ =	shalt  }

// kernel: kernel.13.cloned.1.call-start
scs
__scs_entry_jumppad:
0x0: {  	(pc) =	sbr.rel $0x88, $3  }
0x1: {  	(tag) =	ssettag $0x0;
	lr =	simm.s32 $0x1  }
0x2: {  	[smem:$0x3F99] =	sst lr;
	_ =	strace $0xD0000000  }
0x3: {  	_ = 	snop  }
0x4: {  	_ = 	snop  }
0x5: {  	_ = 	snop  }
0x6: {  	_ = 	snop  }
0x7: {  	_ = 	snop  }
__scs_overlays_trampoline_lowered:
0x8: {  	[smem:$0x3FA8] =	sst s0  }
0x9: {  	[smem:$0x3FA9] =	sst s1  }
0xa: {  	[smem:$0x3FAA] =	sst s2  }
0xb: {  	[smem:$0x3FAB] =	sst s3  }
0xc: {  	[smem:$0x3FAC] =	sst s4  }
0xd: {  	[smem:$0x3FAD] =	sst s5  }
0xe: {  	[smem:$0x3FAE] =	sst s6  }
0xf: {  	[smem:$0x3FAF] =	sst s7  }
0x10: {  	[smem:$0x3FB0] =	sst s8  }
0x11: {  	[smem:$0x3FB1] =	sst s9;
	s0 =	simm.s32 @!p0 $0x0  }
0x12: {  	s1 =	sld [smem:$0x3F97];
	s0 =	simm.s32 @p0 $0x1  }
0x13: {  	[smem:$0x3FB2] =	sst s0;
	s0 =	simm.s32 @!p1 $0x0  }
0x14: {  	s2 =	sld [smem:$0x3F96];
	s0 =	simm.s32 @p1 $0x1  }
0x15: {  	[smem:$0x3FB3] =	sst s0;
	s0 =	simm.s32 @!p2 $0x0  }
0x16: {  	s3 =	sld [smem:$0x3FDB];
	s0 =	simm.s32 @p2 $0x1  }
0x17: {  	s4 =	simm.s32 $0x1BF5;
	[smem:$0x3FB5] =	sst s0  }
0x18: {  	s0 =	sld [smem:$0x3F98];
	_ =	swait.ge [sflag:s4], $0x0  }
0x19: {  	s7 =	sld [smem:$0x3F99]  }
0x1a: {  	s8 =	sadd.s32 $0xFFFFE003, lr  }
0x1b: {  	s9 =	sadd.s32 $0xFFFFFEF7, lr;
	s5 =	simm.s32 $0xFFFFFFFF;
	p2 =	slt.u32 s8, $0xFFFFF086  }
0x1c: {  	p1 =	slt.u32 s9, $0xF7A;
	s5 =	simm.s32 @!p2 $0x0  }
0x1d: {  	s5 =	simm.s32 @p1 $0x1;
	p0 =	seq.s32 s7, s2  }
0x1e: {  	s7 =	smul.u32 @!p0 $0xF7A, s2;
	p2 =	seq.s32 @!p0 s5, $0x0  }
0x1f: {  	s9 =	smul.u32 $0xF7A, s1;
	s8 =	simm.s32 @!p0 $0x1BF5;
	p2 =	por !p2, p0  }
0x20: {  	[sflag:s8] =	ssyncset.s32 @!p0 $0xFFFFF086;
	s6 =	sadd.s32 @!p0 s3, s7;
	s7 =	simm.s32 @!p0 $0x108  }
0x21: {  	s3 =	sadd.s32 s3, s9;
	s6 =	sadd.s32 @!p0 $0x88, s6;
	s7 =	simm.s32 @p2 $0x1082  }
0x22: {  	[simem:s7], [sflag:s8] =	dma.local @!p0 [hbm:s6], $0xF7A  }
0x23: {  	s9 =	sor.u32 $0xD0000000, s2;
	s6 =	simm.s32 $0x108;
	_ =	swait.ge @!p0 [sflag:s8], $0x0  }
0x24: {  	s3 =	sadd.s32 $0x88, s3;
	s6 =	simm.s32 @!p1 $0x1082;
	[sflag:s4] =	ssyncset.s32 $0xFFFFF086  }
0x25: {  	[simem:s6], [sflag:s4] =	dma.local [hbm:s3], $0xF7A  }
0x26: {  	[smem:$0x3F99] =	sst s1;
	(tag) =	ssettag s2;
	_ =	strace s9  }
0x27: {  	s1 =	sld [smem:$0x3FA9]  }
0x28: {  	s2 =	sld [smem:$0x3FAA]  }
0x29: {  	s4 =	sld [smem:$0x3FAC]  }
0x2a: {  	p0 =	seq.s32 s5, $0x0;
	s5 =	sld [smem:$0x3FAD]  }
0x2b: {  	s6 =	sld [smem:$0x3FAE]  }
0x2c: {  	s7 =	sld [smem:$0x3FAF]  }
0x2d: {  	s3 =	simm.s32 $0x108;
	s8 =	sld [smem:$0x3FB0]  }
0x2e: {  	s3 =	simm.s32 @!p0 $0x1082;
	s9 =	sld [smem:$0x3FB1]  }
0x2f: {  	lr =	sadd.s32 s0, s3;
	s0 =	sld [smem:$0x3FA8]  }
0x30: {  	s3 =	sld [smem:$0x3FAB]  }
0x31: {  	[smem:$0x3FB4] =	sst s10  }
0x32: {  	s10 =	sld [smem:$0x3FB2];
	_ =	sdelay $0x3  }
0x33: {  	p0 =	seq.s32 s10, $0x1;
	s10 =	sld [smem:$0x3FB4];
	_ =	sdelay $0x3  }
0x34: {  	[smem:$0x3FB4] =	sst s10  }
0x35: {  	s10 =	sld [smem:$0x3FB3];
	_ =	sdelay $0x3  }
0x36: {  	p1 =	seq.s32 s10, $0x1;
	s10 =	sld [smem:$0x3FB4];
	_ =	sdelay $0x3  }
0x37: {  	[smem:$0x3FB4] =	sst s10  }
0x38: {  	s10 =	sld [smem:$0x3FB5]  }
0x39: {  	_ = 	snop;
	(pc) =	sbr.ind lr, $3  }
0x3a: {  	_ = 	snop  }
0x3b: {  	_ = 	snop  }
0x3c: {  	p2 =	seq.s32 s10, $0x1;
	s10 =	sld [smem:$0x3FB4]  }
0x3d: {  	_ =	shalt  }
0x3e: {  	_ =	shalt  }
0x3f: {  	_ =	shalt  }
0x40: {  	_ =	shalt  }
0x41: {  	_ =	shalt  }
0x42: {  	_ =	shalt  }
0x43: {  	_ =	shalt  }
0x44: {  	_ =	shalt  }
0x45: {  	_ =	shalt  }
0x46: {  	_ =	shalt  }
0x47: {  	_ =	shalt  }
0x48: {  	_ =	shalt  }
0x49: {  	_ =	shalt  }
0x4a: {  	_ =	shalt  }
0x4b: {  	_ =	shalt  }
0x4c: {  	_ =	shalt  }
0x4d: {  	_ =	shalt  }
0x4e: {  	_ =	shalt  }
0x4f: {  	_ =	shalt  }
0x50: {  	_ =	shalt  }
0x51: {  	_ =	shalt  }
0x52: {  	_ =	shalt  }
0x53: {  	_ =	shalt  }
0x54: {  	_ =	shalt  }
0x55: {  	_ =	shalt  }
0x56: {  	_ =	shalt  }
0x57: {  	_ =	shalt  }
0x58: {  	_ =	shalt  }
0x59: {  	_ =	shalt  }
0x5a: {  	_ =	shalt  }
0x5b: {  	_ =	shalt  }
0x5c: {  	_ =	shalt  }
0x5d: {  	_ =	shalt  }
0x5e: {  	_ =	shalt  }
0x5f: {  	_ =	shalt  }
0x60: {  	_ =	shalt  }
0x61: {  	_ =	shalt  }
0x62: {  	_ =	shalt  }
0x63: {  	_ =	shalt  }
0x64: {  	_ =	shalt  }
0x65: {  	_ =	shalt  }
0x66: {  	_ =	shalt  }
0x67: {  	_ =	shalt  }
0x68: {  	_ =	shalt  }
0x69: {  	_ =	shalt  }
0x6a: {  	_ =	shalt  }
0x6b: {  	_ =	shalt  }
0x6c: {  	_ =	shalt  }
0x6d: {  	_ =	shalt  }
0x6e: {  	_ =	shalt  }
0x6f: {  	_ =	shalt  }
0x70: {  	_ =	shalt  }
0x71: {  	_ =	shalt  }
0x72: {  	_ =	shalt  }
0x73: {  	_ =	shalt  }
0x74: {  	_ =	shalt  }
0x75: {  	_ =	shalt  }
0x76: {  	_ =	shalt  }
0x77: {  	_ =	shalt  }
0x78: {  	_ =	shalt  }
0x79: {  	_ =	shalt  }
0x7a: {  	_ =	shalt  }
0x7b: {  	_ =	shalt  }
0x7c: {  	_ =	shalt  }
0x7d: {  	_ =	shalt  }
0x7e: {  	_ =	shalt  }
0x7f: {  	_ =	shalt  }
0x80: {  	_ =	shalt  }
0x81: {  	_ =	shalt  }
0x82: {  	_ =	shalt  }
0x83: {  	_ =	shalt  }
0x84: {  	_ =	shalt  }
0x85: {  	_ =	shalt  }
0x86: {  	_ =	shalt  }
0x87: {  	_ =	shalt  }
.Lfunc_end0:
.L_simem_size_0:
called_computation.1_lowered:
.L_overlay_start_0:
0x88: {  	s2 =	sld [smem:$0x3FD9]  }
0x89: {  	s3 =	sld [smem:$0x3FFE];
	_ =	sdelay $0x1  }
0x8a: {  	s1 =	srdreg.scid  }
0x8b: {  	s0 =	sand.u32 $0x1, s1  }
0x8c: {  	s17 =	sshll.u32 s0, $0xA;
	s2 =	sadd.s32 s3, s2  }
0x8d: {  	s2 =	sadd.s32 s2, s17  }
0x8e: {  	[smem:$0x3FC0] =	sst s2  }
0x8f: {  	_ = 	snop  }
0x90: {  	s2 =	sld [smem:$0x3FD0];
	(tm) =	ssettm $0x1  }
0x91: {  	s18 =	sld [smem:$0x3FFB];
	_ =	sdelay $0x3  }
0x92: {  	_ =	strace s18  }
0x93: {  	s3 =	sld [smem:$0x3FFC];
	_ =	sdelay $0x3  }
0x94: {  	_ =	strace s3  }
0x95: {  	s3 =	sld [smem:$0x3FFD];
	_ =	sdelay $0x3  }
0x96: {  	_ =	strace s3  }
0x97: {  	_ =	strace $0x8FFFFFFF  }
0x98: {  	s19 =	sld [smem:$0x3FDB];
	_ =	sdelay $0x1  }
0x99: {  	s4 =	simm.s32 $_scs_section_size  }
0x9a: {  	s5 =	simm.s32 $_size__tile_overlayer_lowered;
	s6 =	simm.s32 $_tile_overlayer_lowered  }
0x9b: {  	s22 =	simm.s32 $0x1BFF;
	s21 =	sshll.u32 s6, $0x1;
	s3 =	sadd.s32 s4, s19  }
0x9c: {  	s7 =	simm.s32 $0x0;
	s20 =	sshll.u32 s5, $0x1;
	s5 =	sadd.s32 s21, s3  }
0x9d: {  	[timem:s7], [sflag:s22] =	dma.local [hbm:s5], s20  }
0x9e: {  	_ =	swait.ge [sflag:s22], s20  }
0x9f: {  	s4 =	ssub.s32 $0x0, s20;
	[sflag:s22] =	ssyncset.done $0x0  }
0xa0: {  	[sflag:s22] =	ssyncadd.s32 s4;
	_ =	sdelay $0x1  }
0xa1: {  	s23 =	simm.s32 $0x1B8B  }
0xa2: {  	_ =	swait.ge [sflag:s23], $0x1  }
0xa3: {  	[sflag:s23] =	ssyncset.done $0x0  }
0xa4: {  	s25 =	simm.s32 $0x1B8E;
	s24 =	sld [smem:$0x3FFE];
	[sflag:s23] =	ssyncadd.s32 $0xFFFFFFFF  }
0xa5: {  	s26 =	simm.s32 $execute0_lowered;
	[smem:$0x3FD2] =	sst s25  }
0xa6: {  	s5 =	sshll.u32 s26, $0x1;
	_ =	strace $0x80000049;
	[dreg:$0x1] =	wrdreg $0xFFFFFFFF  }
0xa7: {  	s28 =	simm.s32 $_size_execute0_lowered;
	s3 =	sadd.s32 s3, s5;
	[dreg:$0x0] =	wrdreg $0x0  }
0xa8: {  	s5 =	sshll.u32 s28, $0x1;
	[dreg:$0x2] =	wrdreg s3  }
0xa9: {  	[dreg:$0x3] =	wrdreg s5  }
0xaa: {  	[dreg:$0x4] =	wrdreg $0xC0  }
0xab: {  	_ =	task [dreg:s7], $0x5FFFF  }
0xac: {  	[dreg:$0x1] =	wrdreg $0xFFFFFFFF  }
0xad: {  	[dreg:$0x0] =	wrdreg $0x60  }
0xae: {  	[dreg:$0x2] =	wrdreg s24  }
0xaf: {  	[dreg:$0x3] =	wrdreg s2  }
0xb0: {  	[dreg:$0x4] =	wrdreg $0x90000  }
0xb1: {  	[dreg:$0x5] =	wrdreg $0x9  }
0xb2: {  	_ =	task.clear_ibuf [dreg:s7], $0x6FFFF;
	_ =	strace $0x90000049  }
0xb3: {  	s29 =	simm.s32 $0x9;
	_ =	strace $0x8000004B  }
0xb4: {  	_ =	swait.ge [sflag:s29], $0x1  }
0xb5: {  	[sflag:s29] =	ssyncadd.s32 $0xFFFFFFFF  }
0xb6: {  	_ =	strace $0x9000004B  }
0xb7: {  	_ =	sfence  }
0xb8: {  	s30 =	sld [smem:$0x0];
	_ =	sdelay $0x2  }
0xb9: {  	s31 =	sshll.u32 s1, $0xD;
	s1 =	sshrl.u32 s1, $0x2  }
0xba: {  	s3 =	sand.u32 $0x4000, s31;
	s1 =	sadd.s32 s1, s30  }
0xbb: {  	s0 =	sor.u32 s3, s0;
	s1 =	sshll.u32 s1, $0x11  }
0xbc: {  	s0 =	sor.u32 s1, s0  }
0xbd: {  	s0 =	sadd.s32 $0x8F2B, s0  }
0xbe: {  	[sflag:s0] =	ssyncadd.remote.s32 $0x1  }
0xbf: {  	_ =	sfence.sel $0xFFFF  }
0xc0: {  	[dreg:$0x0] =	wrdreg $0xFFFFFFFF;
	(pc) =	sbr.abs _section_cstart, $3  }
0xc1: {  	[dreg:$0x1] =	wrdreg $0xFFFFFFFF  }
0xc2: {  	_ =	task.clear_ibuf [dreg:s7], $0x2FFFF;
	_ =	strace $0x9FFFFFFF  }
0xc3: {  	(tm) =	ssettm $0x7FFFFFFF  }
tec
execute0_lowered:
.L_overlay_start_1:
0x0: {  	(tag) =	ssettag $0x1  }
0x1: {  	s0 =	rddreg [dreg:$0x0]  }
0x2: {  	s1 =	rddreg [dreg:$0x1]  }
0x3: {  	s2 =	rddreg [dreg:$0x2];
	s11 =	stileid.u32  }
0x4: {  	s4 =	srdreg.scid;
	s3 =	simm.s32 $0x0;
	s20 =	simm.s32 $0x5000  }
0x5: {  	s21 =	simm.s32 $0x3;
	s23 =	simm.s32 $0x40;
	s24 =	simm.s32 $0x7000  }
0x6: {  	s28 =	simm.s32 $0x27C0;
	s31 =	simm.s32 $0x0;
	s7 =	smul.u32 $0x500, s11  }
0x7: {  	s6 =	sand.u32 $0x1, s4;
	[smem:$0x7FF] =	sst s3;
	s9 =	smul.u32 $0x2800, s11  }
0x8: {  	s4 =	sadd.s32 $0x16200, s0;
	s5 =	sadd.s32 $0x6E00, s0;
	s11 =	smul.u32 $0x50000, s11  }
0x9: {  	s8 =	smul.u32 $0x28000, s6;
	_ =	strace $0x8000004A;
	s25 =	ssub.s32 $0x2, s6  }
0xa: {  	s12 =	smul.u32 $0x5000, s6;
	s10 =	sadd.s32 s7, s0;
	s26 =	sshrl.u32 s25, $0x1  }
0xb: {  	s29 =	sshrl.u32 s11, $0x2;
	s8 =	sadd.s32 s9, s8;
	s30 =	ssub.s32 s25, s26  }
0xc: {  	s6 =	sadd.s32 s29, s2;
	s7 =	sadd.s32 s7, s12;
	s25 =	simm.s32 $0x1  }
0xd: {  	s26 =	simm.s32 $0x2;
	s0 =	sadd.s32 s8, s0;
	s7 =	sadd.s32 s1, s7  }
0xe: {  	s8 =	sadd.s32 $0x1E00, s10;
	s10 =	smax.u32 s30, $0x1;
	s11 =	sadd.s32 $0x2000, s6  }
0xf: {  	s12 =	sadd.s32 $0x4000, s6;
	s13 =	sadd.s32 $0x6000, s6;
	s14 =	sadd.s32 $0x8000, s6  }
0x10: {  	s15 =	sadd.s32 $0xA000, s6;
	s16 =	sadd.s32 $0xC000, s6;
	s17 =	sadd.s32 $0xE000, s6  }
0x11: {  	s18 =	sadd.s32 $0x10000, s6;
	s19 =	sadd.s32 $0x12000, s6;
	s9 =	sadd.s32 $0x66200, s0  }
.LBB2_1:
0x12: {  	[tilespmem:s20], [sflag:$0x3] =	stream.linear.gather [hbm4b:s5+s3], $0x2000, $0x38;
	[tilespmem:$0x1D000] =	vst v63  }
0x13: {  	_ =	swait.ge [sflag:s21], $0x2000  }
0x14: {  	[sflag:s21] =	ssyncset.done $0x0  }
0x15: {  	[sflag:s21] =	ssyncadd.s32 $0xFFFFE000  }
0x16: {  	[spmem:s6] =	stream.linear.scatter [tilespmem:s20], [sflag:$0x3], $0x2000, $0x38;
	[tilespmem:$0x1D000] =	vst v63  }
0x17: {  	_ =	swait.ge [sflag:s21], $0x2000  }
0x18: {  	[sflag:s21] =	ssyncset.done $0x0  }
0x19: {  	[sflag:s21] =	ssyncadd.s32 $0xFFFFE000  }
0x1a: {  	[spmem:s11] =	stream.linear.scatter [tilespmem:s20], [sflag:$0x3], $0x2000, $0x38;
	[tilespmem:$0x1D000] =	vst v63  }
0x1b: {  	_ =	swait.ge [sflag:s21], $0x2000  }
0x1c: {  	[sflag:s21] =	ssyncset.done $0x0  }
0x1d: {  	[sflag:s21] =	ssyncadd.s32 $0xFFFFE000  }
0x1e: {  	[spmem:s12] =	stream.linear.scatter [tilespmem:s20], [sflag:$0x3], $0x2000, $0x38;
	[tilespmem:$0x1D000] =	vst v63  }
0x1f: {  	_ =	swait.ge [sflag:s21], $0x2000  }
0x20: {  	[sflag:s21] =	ssyncset.done $0x0  }
0x21: {  	[sflag:s21] =	ssyncadd.s32 $0xFFFFE000  }
0x22: {  	[spmem:s13] =	stream.linear.scatter [tilespmem:s20], [sflag:$0x3], $0x2000, $0x38;
	[tilespmem:$0x1D000] =	vst v63  }
0x23: {  	_ =	swait.ge [sflag:s21], $0x2000  }
0x24: {  	[sflag:s21] =	ssyncset.done $0x0  }
0x25: {  	[sflag:s21] =	ssyncadd.s32 $0xFFFFE000  }
0x26: {  	[spmem:s14] =	stream.linear.scatter [tilespmem:s20], [sflag:$0x3], $0x2000, $0x38;
	[tilespmem:$0x1D000] =	vst v63  }
0x27: {  	_ =	swait.ge [sflag:s21], $0x2000  }
0x28: {  	[sflag:s21] =	ssyncset.done $0x0  }
0x29: {  	[sflag:s21] =	ssyncadd.s32 $0xFFFFE000  }
0x2a: {  	[spmem:s15] =	stream.linear.scatter [tilespmem:s20], [sflag:$0x3], $0x2000, $0x38;
	[tilespmem:$0x1D000] =	vst v63  }
0x2b: {  	_ =	swait.ge [sflag:s21], $0x2000  }
0x2c: {  	[sflag:s21] =	ssyncset.done $0x0  }
0x2d: {  	[sflag:s21] =	ssyncadd.s32 $0xFFFFE000  }
0x2e: {  	[spmem:s16] =	stream.linear.scatter [tilespmem:s20], [sflag:$0x3], $0x2000, $0x38;
	[tilespmem:$0x1D000] =	vst v63  }
0x2f: {  	_ =	swait.ge [sflag:s21], $0x2000  }
0x30: {  	[sflag:s21] =	ssyncset.done $0x0  }
0x31: {  	[sflag:s21] =	ssyncadd.s32 $0xFFFFE000  }
0x32: {  	[spmem:s17] =	stream.linear.scatter [tilespmem:s20], [sflag:$0x3], $0x2000, $0x38;
	[tilespmem:$0x1D000] =	vst v63  }
0x33: {  	_ =	swait.ge [sflag:s21], $0x2000  }
0x34: {  	[sflag:s21] =	ssyncset.done $0x0  }
0x35: {  	[sflag:s21] =	ssyncadd.s32 $0xFFFFE000  }
0x36: {  	[spmem:s18] =	stream.linear.scatter [tilespmem:s20], [sflag:$0x3], $0x2000, $0x38;
	[tilespmem:$0x1D000] =	vst v63  }
0x37: {  	_ =	swait.ge [sflag:s21], $0x2000  }
0x38: {  	[sflag:s21] =	ssyncset.done $0x0  }
0x39: {  	[sflag:s21] =	ssyncadd.s32 $0xFFFFE000  }
0x3a: {  	[spmem:s19] =	stream.linear.scatter [tilespmem:s20], [sflag:$0x3], $0x2000, $0x38;
	[tilespmem:$0x1D000] =	vst v63  }
0x3b: {  	_ =	swait.ge [sflag:s21], $0x2000  }
0x3c: {  	[sflag:s21] =	ssyncset.done $0x0  }
0x3d: {  	[sflag:s21] =	ssyncadd.s32 $0xFFFFE000  }
0x3e: {  	[tilespmem:s3], [sflag:$0x3] =	stream.linear.gather [hbm4b:s7+s3], $0x2800, $0x38;
	[tilespmem:$0x1D000] =	vst v63  }
0x3f: {  	_ =	swait.ge [sflag:s21], $0x2800  }
0x40: {  	[sflag:s21] =	ssyncset.done $0x0  }
0x41: {  	s0 =	simm.s32 $0x2800;
	[sflag:s21] =	ssyncadd.s32 $0xFFFFD800  }
0x42: {  	[tilespmem:s0], [sflag:$0x3] =	stream.linear.gather [hbm4b:s8+s3], $0x2800, $0x38;
	[tilespmem:$0x1D000] =	vst v63  }
0x43: {  	_ =	swait.ge [sflag:s21], $0x2800  }
0x44: {  	[sflag:s21] =	ssyncset.done $0x0  }
0x45: {  	[sflag:s21] =	ssyncadd.s32 $0xFFFFD800  }
0x46: {  	[bflag:$0x0] =	sbarrier.arrive $0xFFFF  }
0x47: {  	[tilespmem:s20], [sflag:$0x1] =	stream.indirect.gather [hbm4b:s4+s23], $0x80, s3, s23, $0xb8;
	[tilespmem:$0x1D000] =	vst v63  }
0x48: {  	s1 =	simm.s32 $0x40  }
0x49: {  	[tilespmem:s24], [sflag:$0x2] =	stream.indirect.gather [hbm4b:s4+s23], $0x80, s1, s23, $0xb8;
	[tilespmem:$0x1D000] =	vst v63  }
0x4a: {  	_ =	swait.ge [sflag:s25], $0x2000  }
0x4b: {  	[sflag:s25] =	ssyncset.done $0x0  }
0x4c: {  	s22 =	simm.s32 $0x2800;
	[sflag:s25] =	ssyncadd.s32 $0xFFFFE000  }
0x4d: {  	[spmem:s2] =	stream.indirect.scatter.add.f32 [tilespmem:s20], [sflag:$0x3], $0x80, s22, s23, $0xb8;
	[tilespmem:$0x1D000] =	vst v63  }
0x4e: {  	_ =	swait.ge [sflag:s21], $0x2000  }
0x4f: {  	[sflag:s21] =	ssyncset.done $0x0  }
0x50: {  	s29 =	simm.s32 $0x80;
	[sflag:s21] =	ssyncadd.s32 $0xFFFFE000  }
0x51: {  	[tilespmem:s20], [sflag:$0x1] =	stream.indirect.gather [hbm4b:s4+s23], $0x80, s29, s23, $0xb8;
	[tilespmem:$0x1D000] =	vst v63  }
0x52: {  	_ =	swait.ge [sflag:s26], $0x2000  }
0x53: {  	[sflag:s26] =	ssyncset.done $0x0  }
0x54: {  	s30 =	simm.s32 $0x2840;
	[sflag:s26] =	ssyncadd.s32 $0xFFFFE000  }
0x55: {  	[spmem:s2] =	stream.indirect.scatter.add.f32 [tilespmem:s24], [sflag:$0x3], $0x80, s30, s23, $0xb8;
	[tilespmem:$0x1D000] =	vst v63  }
0x56: {  	_ =	swait.ge [sflag:s21], $0x2000  }
0x57: {  	s0 =	simm.s32 $0x80;
	s1 =	simm.s32 $0x400;
	[sflag:s21] =	ssyncset.done $0x0  }
.LBB2_2:
0x58: {  	s22 =	sadd.s32 $0x40, s0  }
0x59: {  	[sflag:s21] =	ssyncadd.s32 $0xFFFFE000;
	s29 =	smov.u32 s1;
	s30 =	sadd.s32 $0x200, s1  }
0x5a: {  	[tilespmem:s24], [sflag:$0x2] =	stream.indirect.gather [hbm4b:s4+s23], $0x80, s22, s23, $0xb8;
	[tilespmem:$0x1D000] =	vst v63  }
0x5b: {  	p0 =	sne.s32 s1, $0x9C00;
	_ =	swait.ge [sflag:s25], $0x2000  }
0x5c: {  	[sflag:s25] =	ssyncset.done $0x0  }
0x5d: {  	s1 =	sadd.s32 $0x2800, s0;
	[sflag:s25] =	ssyncadd.s32 $0xFFFFE000  }
0x5e: {  	[spmem:s2] =	stream.indirect.scatter.add.f32 [tilespmem:s20], [sflag:$0x3], $0x80, s1, s23, $0xb8;
	[tilespmem:$0x1D000] =	vst v63  }
0x5f: {  	_ =	swait.ge [sflag:s21], $0x2000  }
0x60: {  	[sflag:s21] =	ssyncset.done $0x0  }
0x61: {  	s1 =	sadd.s32 $0x80, s0;
	[sflag:s21] =	ssyncadd.s32 $0xFFFFE000  }
0x62: {  	[tilespmem:s20], [sflag:$0x1] =	stream.indirect.gather [hbm4b:s4+s23], $0x80, s1, s23, $0xb8;
	[tilespmem:$0x1D000] =	vst v63  }
0x63: {  	_ =	swait.ge [sflag:s26], $0x2000  }
.Ltmp0:
0x64: {  	[sflag:s26] =	ssyncset.done $0x0;
	(pc) =	sbr.rel @p0 .LBB2_2-.Ltmp0, $4  }
0x65: {  	s0 =	sadd.s32 $0x2840, s0;
	[sflag:s26] =	ssyncadd.s32 $0xFFFFE000  }
0x66: {  	[spmem:s2] =	stream.indirect.scatter.add.f32 [tilespmem:s24], [sflag:$0x3], $0x80, s0, s23, $0xb8;
	[tilespmem:$0x1D000] =	vst v63  }
0x67: {  	_ =	swait.ge [sflag:s21], $0x2000  }
0x68: {  	s1 =	smov.u32 s30;
	s0 =	sshra.s32 s29, $0x2;
	[sflag:s21] =	ssyncset.done $0x0  }
0x69: {  	s1 =	sadd.s32 $0x40, s0;
	[sflag:s21] =	ssyncadd.s32 $0xFFFFE000  }
0x6a: {  	[tilespmem:s24], [sflag:$0x2] =	stream.indirect.gather [hbm4b:s4+s23], $0x80, s1, s23, $0xb8;
	[tilespmem:$0x1D000] =	vst v63  }
0x6b: {  	_ =	swait.ge [sflag:s25], $0x2000  }
0x6c: {  	[sflag:s25] =	ssyncset.done $0x0  }
0x6d: {  	s22 =	sadd.s32 $0x2800, s0;
	[sflag:s25] =	ssyncadd.s32 $0xFFFFE000  }
0x6e: {  	[spmem:s2] =	stream.indirect.scatter.add.f32 [tilespmem:s20], [sflag:$0x3], $0x80, s22, s23, $0xb8;
	[tilespmem:$0x1D000] =	vst v63  }
0x6f: {  	_ =	swait.ge [sflag:s21], $0x2000  }
0x70: {  	[sflag:s21] =	ssyncset.done $0x0  }
0x71: {  	s29 =	sadd.s32 $0x80, s0;
	[sflag:s21] =	ssyncadd.s32 $0xFFFFE000  }
0x72: {  	[tilespmem:s20], [sflag:$0x1] =	stream.indirect.gather [hbm4b:s4+s23], $0x80, s29, s23, $0xb8;
	[tilespmem:$0x1D000] =	vst v63  }
0x73: {  	_ =	swait.ge [sflag:s26], $0x2000  }
0x74: {  	[sflag:s26] =	ssyncset.done $0x0  }
0x75: {  	s30 =	sadd.s32 $0x2840, s0;
	[sflag:s26] =	ssyncadd.s32 $0xFFFFE000  }
0x76: {  	[spmem:s2] =	stream.indirect.scatter.add.f32 [tilespmem:s24], [sflag:$0x3], $0x80, s30, s23, $0xb8;
	[tilespmem:$0x1D000] =	vst v63  }
0x77: {  	_ =	swait.ge [sflag:s21], $0x2000  }
0x78: {  	[sflag:s21] =	ssyncset.done $0x0  }
0x79: {  	[sflag:s21] =	ssyncadd.s32 $0xFFFFE000  }
0x7a: {  	[tilespmem:s24], [sflag:$0x2] =	stream.indirect.gather [hbm4b:s4+s23], $0x80, s28, s23, $0xb8;
	[tilespmem:$0x1D000] =	vst v63  }
0x7b: {  	_ =	swait.ge [sflag:s25], $0x2000  }
0x7c: {  	[sflag:s25] =	ssyncset.done $0x0  }
0x7d: {  	s1 =	simm.s32 $0x4F80;
	[sflag:s25] =	ssyncadd.s32 $0xFFFFE000  }
0x7e: {  	[spmem:s2] =	stream.indirect.scatter.add.f32 [tilespmem:s20], [sflag:$0x3], $0x80, s1, s23, $0xb8;
	[tilespmem:$0x1D000] =	vst v63  }
0x7f: {  	_ =	swait.ge [sflag:s21], $0x2000  }
0x80: {  	[sflag:s21] =	ssyncset.done $0x0  }
0x81: {  	[sflag:s21] =	ssyncadd.s32 $0xFFFFE000  }
0x82: {  	[tilespmem:s20], [sflag:$0x1] =	stream.indirect.gather [hbm4b:s4+s23], $0x80, s28, s23, $0xb8;
	[tilespmem:$0x1D000] =	vst v63  }
0x83: {  	_ =	swait.ge [sflag:s26], $0x2000  }
0x84: {  	[sflag:s26] =	ssyncset.done $0x0  }
0x85: {  	s22 =	simm.s32 $0x4FC0;
	[sflag:s26] =	ssyncadd.s32 $0xFFFFE000  }
0x86: {  	[spmem:s2] =	stream.indirect.scatter.add.f32 [tilespmem:s24], [sflag:$0x3], $0x80, s22, s23, $0xb8;
	[tilespmem:$0x1D000] =	vst v63  }
0x87: {  	_ =	swait.ge [sflag:s21], $0x2000  }
0x88: {  	[sflag:s21] =	ssyncset.done $0x0  }
0x89: {  	[sflag:s21] =	ssyncadd.s32 $0xFFFFE000  }
0x8a: {  	s29 =	stileid.u32;
	_ =	swait.ge [sflag:s25], $0x2000  }
0x8b: {  	s31 =	sadd.s32 $0x1, s31;
	s0 =	sshll.u32 s29, $0x6;
	[sflag:s25] =	ssyncset.done $0x0  }
0x8c: {  	p0 =	sne.s32 s31, s10;
	s0 =	sor.u32 $0x1C03, s0;
	[sflag:s25] =	ssyncadd.s32 $0xFFFFE000  }
.Ltmp1:
0x8d: {  	s30 =	sshrl.u32 s6, $0x3;
	[bflag:$0x0] =	sbarrier.arrive $0xFFFF;
	(pc) =	sbr.rel @p0 .LBB2_1-.Ltmp1, $4  }
0x8e: {  	[hbm:s9], [sflag:s0] =	dma.local [spmem:s30], $0x2800  }
0x8f: {  	_ =	swait.ge [sflag:s21], $0x2800  }
0x90: {  	[sflag:s21] =	ssyncset.done $0x0  }
0x91: {  	[sflag:s21] =	ssyncadd.s32 $0xFFFFD800  }
0x92: {  	_ =	sfence.sel $0x180000  }
0x93: {  	[bflag:$0x0] =	sbarrier.arrive $0xFFFF  }
0x94: {  	_ =	strace $0x9000004A  }
0x95: {  	s0 =	stileid.u32;
	[bflag:$0x2] =	sbarrier.arrive $0xFFFF  }
0x96: {  	p0 =	sne.s32 s0, $0x0;
	s0 =	rddreg [dreg:$0x3]  }
0x97: {  	s0 =	sadd.s32 @!p0 $0x100000, s0  }
0x98: {  	[sflag:s0] =	ssyncadd.tile.s32 @!p0 $0x1;
	_ =	shalt  }
.Lfunc_end2:
_tile_overlayer_lowered:
.L_overlay_start_2:
0x99: {  	(tag) =	ssettag $0x2  }
0x9a: {  	s0 =	rddreg [dreg:$0x0];
	s2 =	stileid.u32  }
0x9b: {  	s1 =	rddreg [dreg:$0x1];
	p0 =	sne.s32 s2, $0x0  }
0x9c: {  	s3 =	rddreg [dreg:$0x2];
	[bflag:$0x3] =	sbarrier.arrive $0xFFFF;
	s2 =	simm.s32 @!p0 $0x1C03  }
0x9d: {  	[timem:s3], [sflag:s2] =	dma.local @!p0 [hbm:s0], s1  }
0x9e: {  	s0 =	simm.s32 @!p0 $0x3  }
0x9f: {  	_ =	swait.ge @!p0 [sflag:s0], s1  }
0xa0: {  	s1 =	ssub.s32 @!p0 $0x0, s1;
	[sflag:s0] =	ssyncset.done @!p0 $0x0  }
0xa1: {  	[sflag:s0] =	ssyncadd.s32 @!p0 s1  }
0xa2: {  	[bflag:$0x3] =	sbarrier.arrive $0xFFFF  }
0xa3: {  	_ =	shalt  }

// kernel: kernel.16.cloned.1.call-start
scs
__scs_entry_jumppad:
0x0: {  	(pc) =	sbr.rel $0x88, $3  }
0x1: {  	(tag) =	ssettag $0x0;
	lr =	simm.s32 $0x1  }
0x2: {  	[smem:$0x3F99] =	sst lr;
	_ =	strace $0xD0000000  }
0x3: {  	_ = 	snop  }
0x4: {  	_ = 	snop  }
0x5: {  	_ = 	snop  }
0x6: {  	_ = 	snop  }
0x7: {  	_ = 	snop  }
__scs_overlays_trampoline_lowered:
0x8: {  	[smem:$0x3FA8] =	sst s0  }
0x9: {  	[smem:$0x3FA9] =	sst s1  }
0xa: {  	[smem:$0x3FAA] =	sst s2  }
0xb: {  	[smem:$0x3FAB] =	sst s3  }
0xc: {  	[smem:$0x3FAC] =	sst s4  }
0xd: {  	[smem:$0x3FAD] =	sst s5  }
0xe: {  	[smem:$0x3FAE] =	sst s6  }
0xf: {  	[smem:$0x3FAF] =	sst s7  }
0x10: {  	[smem:$0x3FB0] =	sst s8  }
0x11: {  	[smem:$0x3FB1] =	sst s9;
	s0 =	simm.s32 @!p0 $0x0  }
0x12: {  	s1 =	sld [smem:$0x3F97];
	s0 =	simm.s32 @p0 $0x1  }
0x13: {  	[smem:$0x3FB2] =	sst s0;
	s0 =	simm.s32 @!p1 $0x0  }
0x14: {  	s2 =	sld [smem:$0x3F96];
	s0 =	simm.s32 @p1 $0x1  }
0x15: {  	[smem:$0x3FB3] =	sst s0;
	s0 =	simm.s32 @!p2 $0x0  }
0x16: {  	s3 =	sld [smem:$0x3FDB];
	s0 =	simm.s32 @p2 $0x1  }
0x17: {  	s4 =	simm.s32 $0x1BF5;
	[smem:$0x3FB5] =	sst s0  }
0x18: {  	s0 =	sld [smem:$0x3F98];
	_ =	swait.ge [sflag:s4], $0x0  }
0x19: {  	s7 =	sld [smem:$0x3F99]  }
0x1a: {  	s8 =	sadd.s32 $0xFFFFE003, lr  }
0x1b: {  	s9 =	sadd.s32 $0xFFFFFEF7, lr;
	s5 =	simm.s32 $0xFFFFFFFF;
	p2 =	slt.u32 s8, $0xFFFFF086  }
0x1c: {  	p1 =	slt.u32 s9, $0xF7A;
	s5 =	simm.s32 @!p2 $0x0  }
0x1d: {  	s5 =	simm.s32 @p1 $0x1;
	p0 =	seq.s32 s7, s2  }
0x1e: {  	s7 =	smul.u32 @!p0 $0xF7A, s2;
	p2 =	seq.s32 @!p0 s5, $0x0  }
0x1f: {  	s9 =	smul.u32 $0xF7A, s1;
	s8 =	simm.s32 @!p0 $0x1BF5;
	p2 =	por !p2, p0  }
0x20: {  	[sflag:s8] =	ssyncset.s32 @!p0 $0xFFFFF086;
	s6 =	sadd.s32 @!p0 s3, s7;
	s7 =	simm.s32 @!p0 $0x108  }
0x21: {  	s3 =	sadd.s32 s3, s9;
	s6 =	sadd.s32 @!p0 $0x88, s6;
	s7 =	simm.s32 @p2 $0x1082  }
0x22: {  	[simem:s7], [sflag:s8] =	dma.local @!p0 [hbm:s6], $0xF7A  }
0x23: {  	s9 =	sor.u32 $0xD0000000, s2;
	s6 =	simm.s32 $0x108;
	_ =	swait.ge @!p0 [sflag:s8], $0x0  }
0x24: {  	s3 =	sadd.s32 $0x88, s3;
	s6 =	simm.s32 @!p1 $0x1082;
	[sflag:s4] =	ssyncset.s32 $0xFFFFF086  }
0x25: {  	[simem:s6], [sflag:s4] =	dma.local [hbm:s3], $0xF7A  }
0x26: {  	[smem:$0x3F99] =	sst s1;
	(tag) =	ssettag s2;
	_ =	strace s9  }
0x27: {  	s1 =	sld [smem:$0x3FA9]  }
0x28: {  	s2 =	sld [smem:$0x3FAA]  }
0x29: {  	s4 =	sld [smem:$0x3FAC]  }
0x2a: {  	p0 =	seq.s32 s5, $0x0;
	s5 =	sld [smem:$0x3FAD]  }
0x2b: {  	s6 =	sld [smem:$0x3FAE]  }
0x2c: {  	s7 =	sld [smem:$0x3FAF]  }
0x2d: {  	s3 =	simm.s32 $0x108;
	s8 =	sld [smem:$0x3FB0]  }
0x2e: {  	s3 =	simm.s32 @!p0 $0x1082;
	s9 =	sld [smem:$0x3FB1]  }
0x2f: {  	lr =	sadd.s32 s0, s3;
	s0 =	sld [smem:$0x3FA8]  }
0x30: {  	s3 =	sld [smem:$0x3FAB]  }
0x31: {  	[smem:$0x3FB4] =	sst s10  }
0x32: {  	s10 =	sld [smem:$0x3FB2];
	_ =	sdelay $0x3  }
0x33: {  	p0 =	seq.s32 s10, $0x1;
	s10 =	sld [smem:$0x3FB4];
	_ =	sdelay $0x3  }
0x34: {  	[smem:$0x3FB4] =	sst s10  }
0x35: {  	s10 =	sld [smem:$0x3FB3];
	_ =	sdelay $0x3  }
0x36: {  	p1 =	seq.s32 s10, $0x1;
	s10 =	sld [smem:$0x3FB4];
	_ =	sdelay $0x3  }
0x37: {  	[smem:$0x3FB4] =	sst s10  }
0x38: {  	s10 =	sld [smem:$0x3FB5]  }
0x39: {  	_ = 	snop;
	(pc) =	sbr.ind lr, $3  }
0x3a: {  	_ = 	snop  }
0x3b: {  	_ = 	snop  }
0x3c: {  	p2 =	seq.s32 s10, $0x1;
	s10 =	sld [smem:$0x3FB4]  }
0x3d: {  	_ =	shalt  }
0x3e: {  	_ =	shalt  }
0x3f: {  	_ =	shalt  }
0x40: {  	_ =	shalt  }
0x41: {  	_ =	shalt  }
0x42: {  	_ =	shalt  }
0x43: {  	_ =	shalt  }
0x44: {  	_ =	shalt  }
0x45: {  	_ =	shalt  }
0x46: {  	_ =	shalt  }
0x47: {  	_ =	shalt  }
0x48: {  	_ =	shalt  }
0x49: {  	_ =	shalt  }
0x4a: {  	_ =	shalt  }
0x4b: {  	_ =	shalt  }
0x4c: {  	_ =	shalt  }
0x4d: {  	_ =	shalt  }
0x4e: {  	_ =	shalt  }
0x4f: {  	_ =	shalt  }
0x50: {  	_ =	shalt  }
0x51: {  	_ =	shalt  }
0x52: {  	_ =	shalt  }
0x53: {  	_ =	shalt  }
0x54: {  	_ =	shalt  }
0x55: {  	_ =	shalt  }
0x56: {  	_ =	shalt  }
0x57: {  	_ =	shalt  }
0x58: {  	_ =	shalt  }
0x59: {  	_ =	shalt  }
0x5a: {  	_ =	shalt  }
0x5b: {  	_ =	shalt  }
0x5c: {  	_ =	shalt  }
0x5d: {  	_ =	shalt  }
0x5e: {  	_ =	shalt  }
0x5f: {  	_ =	shalt  }
0x60: {  	_ =	shalt  }
0x61: {  	_ =	shalt  }
0x62: {  	_ =	shalt  }
0x63: {  	_ =	shalt  }
0x64: {  	_ =	shalt  }
0x65: {  	_ =	shalt  }
0x66: {  	_ =	shalt  }
0x67: {  	_ =	shalt  }
0x68: {  	_ =	shalt  }
0x69: {  	_ =	shalt  }
0x6a: {  	_ =	shalt  }
0x6b: {  	_ =	shalt  }
0x6c: {  	_ =	shalt  }
0x6d: {  	_ =	shalt  }
0x6e: {  	_ =	shalt  }
0x6f: {  	_ =	shalt  }
0x70: {  	_ =	shalt  }
0x71: {  	_ =	shalt  }
0x72: {  	_ =	shalt  }
0x73: {  	_ =	shalt  }
0x74: {  	_ =	shalt  }
0x75: {  	_ =	shalt  }
0x76: {  	_ =	shalt  }
0x77: {  	_ =	shalt  }
0x78: {  	_ =	shalt  }
0x79: {  	_ =	shalt  }
0x7a: {  	_ =	shalt  }
0x7b: {  	_ =	shalt  }
0x7c: {  	_ =	shalt  }
0x7d: {  	_ =	shalt  }
0x7e: {  	_ =	shalt  }
0x7f: {  	_ =	shalt  }
0x80: {  	_ =	shalt  }
0x81: {  	_ =	shalt  }
0x82: {  	_ =	shalt  }
0x83: {  	_ =	shalt  }
0x84: {  	_ =	shalt  }
0x85: {  	_ =	shalt  }
0x86: {  	_ =	shalt  }
0x87: {  	_ =	shalt  }
.Lfunc_end0:
.L_simem_size_0:
called_computation.2_lowered:
.L_overlay_start_0:
0x88: {  	s2 =	sld [smem:$0x3FD9]  }
0x89: {  	s3 =	sld [smem:$0x3FFE];
	_ =	sdelay $0x1  }
0x8a: {  	s1 =	srdreg.scid  }
0x8b: {  	s0 =	sand.u32 $0x1, s1  }
0x8c: {  	s17 =	sshll.u32 s0, $0xA;
	s2 =	sadd.s32 s3, s2  }
0x8d: {  	s2 =	sadd.s32 s2, s17  }
0x8e: {  	[smem:$0x3FC0] =	sst s2  }
0x8f: {  	_ = 	snop  }
0x90: {  	s2 =	sld [smem:$0x3FD0];
	(tm) =	ssettm $0x1  }
0x91: {  	s18 =	sld [smem:$0x3FFB];
	_ =	sdelay $0x3  }
0x92: {  	_ =	strace s18  }
0x93: {  	s3 =	sld [smem:$0x3FFC];
	_ =	sdelay $0x3  }
0x94: {  	_ =	strace s3  }
0x95: {  	s3 =	sld [smem:$0x3FFD];
	_ =	sdelay $0x3  }
0x96: {  	_ =	strace s3  }
0x97: {  	_ =	strace $0x8FFFFFFF  }
0x98: {  	s19 =	sld [smem:$0x3FDB];
	_ =	sdelay $0x1  }
0x99: {  	s4 =	simm.s32 $_scs_section_size  }
0x9a: {  	s5 =	simm.s32 $_size__tile_overlayer_lowered;
	s6 =	simm.s32 $_tile_overlayer_lowered  }
0x9b: {  	s22 =	simm.s32 $0x1BFF;
	s21 =	sshll.u32 s6, $0x1;
	s3 =	sadd.s32 s4, s19  }
0x9c: {  	s7 =	simm.s32 $0x0;
	s20 =	sshll.u32 s5, $0x1;
	s5 =	sadd.s32 s21, s3  }
0x9d: {  	[timem:s7], [sflag:s22] =	dma.local [hbm:s5], s20  }
0x9e: {  	_ =	swait.ge [sflag:s22], s20  }
0x9f: {  	s4 =	ssub.s32 $0x0, s20;
	[sflag:s22] =	ssyncset.done $0x0  }
0xa0: {  	[sflag:s22] =	ssyncadd.s32 s4;
	_ =	sdelay $0x1  }
0xa1: {  	s23 =	simm.s32 $0x1B8B  }
0xa2: {  	_ =	swait.ge [sflag:s23], $0x1  }
0xa3: {  	[sflag:s23] =	ssyncset.done $0x0  }
0xa4: {  	s25 =	simm.s32 $0x1B8E;
	s24 =	sld [smem:$0x3FFE];
	[sflag:s23] =	ssyncadd.s32 $0xFFFFFFFF  }
0xa5: {  	s26 =	simm.s32 $execute0_lowered;
	[smem:$0x3FD2] =	sst s25  }
0xa6: {  	s5 =	sshll.u32 s26, $0x1;
	_ =	strace $0x8000004C;
	[dreg:$0x1] =	wrdreg $0xFFFFFFFF  }
0xa7: {  	s28 =	simm.s32 $_size_execute0_lowered;
	s3 =	sadd.s32 s3, s5;
	[dreg:$0x0] =	wrdreg $0x0  }
0xa8: {  	s5 =	sshll.u32 s28, $0x1;
	[dreg:$0x2] =	wrdreg s3  }
0xa9: {  	[dreg:$0x3] =	wrdreg s5  }
0xaa: {  	[dreg:$0x4] =	wrdreg $0xC0  }
0xab: {  	_ =	task [dreg:s7], $0x5FFFF  }
0xac: {  	[dreg:$0x1] =	wrdreg $0xFFFFFFFF  }
0xad: {  	[dreg:$0x0] =	wrdreg $0x60  }
0xae: {  	[dreg:$0x2] =	wrdreg s24  }
0xaf: {  	[dreg:$0x3] =	wrdreg s2  }
0xb0: {  	[dreg:$0x4] =	wrdreg $0x90000  }
0xb1: {  	[dreg:$0x5] =	wrdreg $0x9  }
0xb2: {  	_ =	task.clear_ibuf [dreg:s7], $0x6FFFF;
	_ =	strace $0x9000004C  }
0xb3: {  	s29 =	simm.s32 $0x9;
	_ =	strace $0x8000004E  }
0xb4: {  	_ =	swait.ge [sflag:s29], $0x1  }
0xb5: {  	[sflag:s29] =	ssyncadd.s32 $0xFFFFFFFF  }
0xb6: {  	_ =	strace $0x9000004E  }
0xb7: {  	_ =	sfence  }
0xb8: {  	s30 =	sld [smem:$0x0];
	_ =	sdelay $0x2  }
0xb9: {  	s31 =	sshll.u32 s1, $0xD;
	s1 =	sshrl.u32 s1, $0x2  }
0xba: {  	s3 =	sand.u32 $0x4000, s31;
	s1 =	sadd.s32 s1, s30  }
0xbb: {  	s0 =	sor.u32 s3, s0;
	s1 =	sshll.u32 s1, $0x11  }
0xbc: {  	s0 =	sor.u32 s1, s0  }
0xbd: {  	s0 =	sadd.s32 $0x8F2B, s0  }
0xbe: {  	[sflag:s0] =	ssyncadd.remote.s32 $0x1  }
0xbf: {  	_ =	sfence.sel $0xFFFF  }
0xc0: {  	[dreg:$0x0] =	wrdreg $0xFFFFFFFF;
	(pc) =	sbr.abs _section_cstart, $3  }
0xc1: {  	[dreg:$0x1] =	wrdreg $0xFFFFFFFF  }
0xc2: {  	_ =	task.clear_ibuf [dreg:s7], $0x2FFFF;
	_ =	strace $0x9FFFFFFF  }
0xc3: {  	(tm) =	ssettm $0x7FFFFFFF  }
tec
execute0_lowered:
.L_overlay_start_1:
0x0: {  	(tag) =	ssettag $0x1  }
0x1: {  	s0 =	rddreg [dreg:$0x0]  }
0x2: {  	s1 =	rddreg [dreg:$0x1]  }
0x3: {  	s2 =	rddreg [dreg:$0x2];
	s11 =	stileid.u32  }
0x4: {  	s4 =	srdreg.scid;
	s3 =	simm.s32 $0x0;
	s20 =	simm.s32 $0x5000  }
0x5: {  	s21 =	simm.s32 $0x3;
	s23 =	simm.s32 $0x40;
	s24 =	simm.s32 $0x7000  }
0x6: {  	s28 =	simm.s32 $0x27C0;
	s31 =	simm.s32 $0x0;
	s7 =	smul.u32 $0x500, s11  }
0x7: {  	s6 =	sand.u32 $0x1, s4;
	[smem:$0x7FF] =	sst s3;
	s9 =	smul.u32 $0x2800, s11  }
0x8: {  	s4 =	sadd.s32 $0x16200, s0;
	s5 =	sadd.s32 $0x6E00, s0;
	s11 =	smul.u32 $0x50000, s11  }
0x9: {  	s8 =	smul.u32 $0x28000, s6;
	_ =	strace $0x8000004D;
	s25 =	ssub.s32 $0x2, s6  }
0xa: {  	s12 =	smul.u32 $0x5000, s6;
	s10 =	sadd.s32 s7, s0;
	s26 =	sshrl.u32 s25, $0x1  }
0xb: {  	s29 =	sshrl.u32 s11, $0x2;
	s8 =	sadd.s32 s9, s8;
	s30 =	ssub.s32 s25, s26  }
0xc: {  	s6 =	sadd.s32 s29, s2;
	s7 =	sadd.s32 s7, s12;
	s25 =	simm.s32 $0x1  }
0xd: {  	s26 =	simm.s32 $0x2;
	s0 =	sadd.s32 s8, s0;
	s7 =	sadd.s32 s1, s7  }
0xe: {  	s8 =	sadd.s32 $0x1E00, s10;
	s10 =	smax.u32 s30, $0x1;
	s11 =	sadd.s32 $0x2000, s6  }
0xf: {  	s12 =	sadd.s32 $0x4000, s6;
	s13 =	sadd.s32 $0x6000, s6;
	s14 =	sadd.s32 $0x8000, s6  }
0x10: {  	s15 =	sadd.s32 $0xA000, s6;
	s16 =	sadd.s32 $0xC000, s6;
	s17 =	sadd.s32 $0xE000, s6  }
0x11: {  	s18 =	sadd.s32 $0x10000, s6;
	s19 =	sadd.s32 $0x12000, s6;
	s9 =	sadd.s32 $0x66200, s0  }
.LBB2_1:
0x12: {  	[tilespmem:s20], [sflag:$0x3] =	stream.linear.gather [hbm4b:s5+s3], $0x2000, $0x38;
	[tilespmem:$0x1D000] =	vst v63  }
0x13: {  	_ =	swait.ge [sflag:s21], $0x2000  }
0x14: {  	[sflag:s21] =	ssyncset.done $0x0  }
0x15: {  	[sflag:s21] =	ssyncadd.s32 $0xFFFFE000  }
0x16: {  	[spmem:s6] =	stream.linear.scatter [tilespmem:s20], [sflag:$0x3], $0x2000, $0x38;
	[tilespmem:$0x1D000] =	vst v63  }
0x17: {  	_ =	swait.ge [sflag:s21], $0x2000  }
0x18: {  	[sflag:s21] =	ssyncset.done $0x0  }
0x19: {  	[sflag:s21] =	ssyncadd.s32 $0xFFFFE000  }
0x1a: {  	[spmem:s11] =	stream.linear.scatter [tilespmem:s20], [sflag:$0x3], $0x2000, $0x38;
	[tilespmem:$0x1D000] =	vst v63  }
0x1b: {  	_ =	swait.ge [sflag:s21], $0x2000  }
0x1c: {  	[sflag:s21] =	ssyncset.done $0x0  }
0x1d: {  	[sflag:s21] =	ssyncadd.s32 $0xFFFFE000  }
0x1e: {  	[spmem:s12] =	stream.linear.scatter [tilespmem:s20], [sflag:$0x3], $0x2000, $0x38;
	[tilespmem:$0x1D000] =	vst v63  }
0x1f: {  	_ =	swait.ge [sflag:s21], $0x2000  }
0x20: {  	[sflag:s21] =	ssyncset.done $0x0  }
0x21: {  	[sflag:s21] =	ssyncadd.s32 $0xFFFFE000  }
0x22: {  	[spmem:s13] =	stream.linear.scatter [tilespmem:s20], [sflag:$0x3], $0x2000, $0x38;
	[tilespmem:$0x1D000] =	vst v63  }
0x23: {  	_ =	swait.ge [sflag:s21], $0x2000  }
0x24: {  	[sflag:s21] =	ssyncset.done $0x0  }
0x25: {  	[sflag:s21] =	ssyncadd.s32 $0xFFFFE000  }
0x26: {  	[spmem:s14] =	stream.linear.scatter [tilespmem:s20], [sflag:$0x3], $0x2000, $0x38;
	[tilespmem:$0x1D000] =	vst v63  }
0x27: {  	_ =	swait.ge [sflag:s21], $0x2000  }
0x28: {  	[sflag:s21] =	ssyncset.done $0x0  }
0x29: {  	[sflag:s21] =	ssyncadd.s32 $0xFFFFE000  }
0x2a: {  	[spmem:s15] =	stream.linear.scatter [tilespmem:s20], [sflag:$0x3], $0x2000, $0x38;
	[tilespmem:$0x1D000] =	vst v63  }
0x2b: {  	_ =	swait.ge [sflag:s21], $0x2000  }
0x2c: {  	[sflag:s21] =	ssyncset.done $0x0  }
0x2d: {  	[sflag:s21] =	ssyncadd.s32 $0xFFFFE000  }
0x2e: {  	[spmem:s16] =	stream.linear.scatter [tilespmem:s20], [sflag:$0x3], $0x2000, $0x38;
	[tilespmem:$0x1D000] =	vst v63  }
0x2f: {  	_ =	swait.ge [sflag:s21], $0x2000  }
0x30: {  	[sflag:s21] =	ssyncset.done $0x0  }
0x31: {  	[sflag:s21] =	ssyncadd.s32 $0xFFFFE000  }
0x32: {  	[spmem:s17] =	stream.linear.scatter [tilespmem:s20], [sflag:$0x3], $0x2000, $0x38;
	[tilespmem:$0x1D000] =	vst v63  }
0x33: {  	_ =	swait.ge [sflag:s21], $0x2000  }
0x34: {  	[sflag:s21] =	ssyncset.done $0x0  }
0x35: {  	[sflag:s21] =	ssyncadd.s32 $0xFFFFE000  }
0x36: {  	[spmem:s18] =	stream.linear.scatter [tilespmem:s20], [sflag:$0x3], $0x2000, $0x38;
	[tilespmem:$0x1D000] =	vst v63  }
0x37: {  	_ =	swait.ge [sflag:s21], $0x2000  }
0x38: {  	[sflag:s21] =	ssyncset.done $0x0  }
0x39: {  	[sflag:s21] =	ssyncadd.s32 $0xFFFFE000  }
0x3a: {  	[spmem:s19] =	stream.linear.scatter [tilespmem:s20], [sflag:$0x3], $0x2000, $0x38;
	[tilespmem:$0x1D000] =	vst v63  }
0x3b: {  	_ =	swait.ge [sflag:s21], $0x2000  }
0x3c: {  	[sflag:s21] =	ssyncset.done $0x0  }
0x3d: {  	[sflag:s21] =	ssyncadd.s32 $0xFFFFE000  }
0x3e: {  	[tilespmem:s3], [sflag:$0x3] =	stream.linear.gather [hbm4b:s7+s3], $0x2800, $0x38;
	[tilespmem:$0x1D000] =	vst v63  }
0x3f: {  	_ =	swait.ge [sflag:s21], $0x2800  }
0x40: {  	[sflag:s21] =	ssyncset.done $0x0  }
0x41: {  	s0 =	simm.s32 $0x2800;
	[sflag:s21] =	ssyncadd.s32 $0xFFFFD800  }
0x42: {  	[tilespmem:s0], [sflag:$0x3] =	stream.linear.gather [hbm4b:s8+s3], $0x2800, $0x38;
	[tilespmem:$0x1D000] =	vst v63  }
0x43: {  	_ =	swait.ge [sflag:s21], $0x2800  }
0x44: {  	[sflag:s21] =	ssyncset.done $0x0  }
0x45: {  	[sflag:s21] =	ssyncadd.s32 $0xFFFFD800  }
0x46: {  	[bflag:$0x0] =	sbarrier.arrive $0xFFFF  }
0x47: {  	[tilespmem:s20], [sflag:$0x1] =	stream.indirect.gather [hbm4b:s4+s23], $0x80, s3, s23, $0xb8;
	[tilespmem:$0x1D000] =	vst v63  }
0x48: {  	s1 =	simm.s32 $0x40  }
0x49: {  	[tilespmem:s24], [sflag:$0x2] =	stream.indirect.gather [hbm4b:s4+s23], $0x80, s1, s23, $0xb8;
	[tilespmem:$0x1D000] =	vst v63  }
0x4a: {  	_ =	swait.ge [sflag:s25], $0x2000  }
0x4b: {  	[sflag:s25] =	ssyncset.done $0x0  }
0x4c: {  	s22 =	simm.s32 $0x2800;
	[sflag:s25] =	ssyncadd.s32 $0xFFFFE000  }
0x4d: {  	[spmem:s2] =	stream.indirect.scatter.add.f32 [tilespmem:s20], [sflag:$0x3], $0x80, s22, s23, $0xb8;
	[tilespmem:$0x1D000] =	vst v63  }
0x4e: {  	_ =	swait.ge [sflag:s21], $0x2000  }
0x4f: {  	[sflag:s21] =	ssyncset.done $0x0  }
0x50: {  	s29 =	simm.s32 $0x80;
	[sflag:s21] =	ssyncadd.s32 $0xFFFFE000  }
0x51: {  	[tilespmem:s20], [sflag:$0x1] =	stream.indirect.gather [hbm4b:s4+s23], $0x80, s29, s23, $0xb8;
	[tilespmem:$0x1D000] =	vst v63  }
0x52: {  	_ =	swait.ge [sflag:s26], $0x2000  }
0x53: {  	[sflag:s26] =	ssyncset.done $0x0  }
0x54: {  	s30 =	simm.s32 $0x2840;
	[sflag:s26] =	ssyncadd.s32 $0xFFFFE000  }
0x55: {  	[spmem:s2] =	stream.indirect.scatter.add.f32 [tilespmem:s24], [sflag:$0x3], $0x80, s30, s23, $0xb8;
	[tilespmem:$0x1D000] =	vst v63  }
0x56: {  	_ =	swait.ge [sflag:s21], $0x2000  }
0x57: {  	s0 =	simm.s32 $0x80;
	s1 =	simm.s32 $0x400;
	[sflag:s21] =	ssyncset.done $0x0  }
.LBB2_2:
0x58: {  	s22 =	sadd.s32 $0x40, s0  }
0x59: {  	[sflag:s21] =	ssyncadd.s32 $0xFFFFE000;
	s29 =	smov.u32 s1;
	s30 =	sadd.s32 $0x200, s1  }
0x5a: {  	[tilespmem:s24], [sflag:$0x2] =	stream.indirect.gather [hbm4b:s4+s23], $0x80, s22, s23, $0xb8;
	[tilespmem:$0x1D000] =	vst v63  }
0x5b: {  	p0 =	sne.s32 s1, $0x9C00;
	_ =	swait.ge [sflag:s25], $0x2000  }
0x5c: {  	[sflag:s25] =	ssyncset.done $0x0  }
0x5d: {  	s1 =	sadd.s32 $0x2800, s0;
	[sflag:s25] =	ssyncadd.s32 $0xFFFFE000  }
0x5e: {  	[spmem:s2] =	stream.indirect.scatter.add.f32 [tilespmem:s20], [sflag:$0x3], $0x80, s1, s23, $0xb8;
	[tilespmem:$0x1D000] =	vst v63  }
0x5f: {  	_ =	swait.ge [sflag:s21], $0x2000  }
0x60: {  	[sflag:s21] =	ssyncset.done $0x0  }
0x61: {  	s1 =	sadd.s32 $0x80, s0;
	[sflag:s21] =	ssyncadd.s32 $0xFFFFE000  }
0x62: {  	[tilespmem:s20], [sflag:$0x1] =	stream.indirect.gather [hbm4b:s4+s23], $0x80, s1, s23, $0xb8;
	[tilespmem:$0x1D000] =	vst v63  }
0x63: {  	_ =	swait.ge [sflag:s26], $0x2000  }
.Ltmp0:
0x64: {  	[sflag:s26] =	ssyncset.done $0x0;
	(pc) =	sbr.rel @p0 .LBB2_2-.Ltmp0, $4  }
0x65: {  	s0 =	sadd.s32 $0x2840, s0;
	[sflag:s26] =	ssyncadd.s32 $0xFFFFE000  }
0x66: {  	[spmem:s2] =	stream.indirect.scatter.add.f32 [tilespmem:s24], [sflag:$0x3], $0x80, s0, s23, $0xb8;
	[tilespmem:$0x1D000] =	vst v63  }
0x67: {  	_ =	swait.ge [sflag:s21], $0x2000  }
0x68: {  	s1 =	smov.u32 s30;
	s0 =	sshra.s32 s29, $0x2;
	[sflag:s21] =	ssyncset.done $0x0  }
0x69: {  	s1 =	sadd.s32 $0x40, s0;
	[sflag:s21] =	ssyncadd.s32 $0xFFFFE000  }
0x6a: {  	[tilespmem:s24], [sflag:$0x2] =	stream.indirect.gather [hbm4b:s4+s23], $0x80, s1, s23, $0xb8;
	[tilespmem:$0x1D000] =	vst v63  }
0x6b: {  	_ =	swait.ge [sflag:s25], $0x2000  }
0x6c: {  	[sflag:s25] =	ssyncset.done $0x0  }
0x6d: {  	s22 =	sadd.s32 $0x2800, s0;
	[sflag:s25] =	ssyncadd.s32 $0xFFFFE000  }
0x6e: {  	[spmem:s2] =	stream.indirect.scatter.add.f32 [tilespmem:s20], [sflag:$0x3], $0x80, s22, s23, $0xb8;
	[tilespmem:$0x1D000] =	vst v63  }
0x6f: {  	_ =	swait.ge [sflag:s21], $0x2000  }
0x70: {  	[sflag:s21] =	ssyncset.done $0x0  }
0x71: {  	s29 =	sadd.s32 $0x80, s0;
	[sflag:s21] =	ssyncadd.s32 $0xFFFFE000  }
0x72: {  	[tilespmem:s20], [sflag:$0x1] =	stream.indirect.gather [hbm4b:s4+s23], $0x80, s29, s23, $0xb8;
	[tilespmem:$0x1D000] =	vst v63  }
0x73: {  	_ =	swait.ge [sflag:s26], $0x2000  }
0x74: {  	[sflag:s26] =	ssyncset.done $0x0  }
0x75: {  	s30 =	sadd.s32 $0x2840, s0;
	[sflag:s26] =	ssyncadd.s32 $0xFFFFE000  }
0x76: {  	[spmem:s2] =	stream.indirect.scatter.add.f32 [tilespmem:s24], [sflag:$0x3], $0x80, s30, s23, $0xb8;
	[tilespmem:$0x1D000] =	vst v63  }
0x77: {  	_ =	swait.ge [sflag:s21], $0x2000  }
0x78: {  	[sflag:s21] =	ssyncset.done $0x0  }
0x79: {  	[sflag:s21] =	ssyncadd.s32 $0xFFFFE000  }
0x7a: {  	[tilespmem:s24], [sflag:$0x2] =	stream.indirect.gather [hbm4b:s4+s23], $0x80, s28, s23, $0xb8;
	[tilespmem:$0x1D000] =	vst v63  }
0x7b: {  	_ =	swait.ge [sflag:s25], $0x2000  }
0x7c: {  	[sflag:s25] =	ssyncset.done $0x0  }
0x7d: {  	s1 =	simm.s32 $0x4F80;
	[sflag:s25] =	ssyncadd.s32 $0xFFFFE000  }
0x7e: {  	[spmem:s2] =	stream.indirect.scatter.add.f32 [tilespmem:s20], [sflag:$0x3], $0x80, s1, s23, $0xb8;
	[tilespmem:$0x1D000] =	vst v63  }
0x7f: {  	_ =	swait.ge [sflag:s21], $0x2000  }
0x80: {  	[sflag:s21] =	ssyncset.done $0x0  }
0x81: {  	[sflag:s21] =	ssyncadd.s32 $0xFFFFE000  }
0x82: {  	[tilespmem:s20], [sflag:$0x1] =	stream.indirect.gather [hbm4b:s4+s23], $0x80, s28, s23, $0xb8;
	[tilespmem:$0x1D000] =	vst v63  }
0x83: {  	_ =	swait.ge [sflag:s26], $0x2000  }
0x84: {  	[sflag:s26] =	ssyncset.done $0x0  }
0x85: {  	s22 =	simm.s32 $0x4FC0;
	[sflag:s26] =	ssyncadd.s32 $0xFFFFE000  }
0x86: {  	[spmem:s2] =	stream.indirect.scatter.add.f32 [tilespmem:s24], [sflag:$0x3], $0x80, s22, s23, $0xb8;
	[tilespmem:$0x1D000] =	vst v63  }
0x87: {  	_ =	swait.ge [sflag:s21], $0x2000  }
0x88: {  	[sflag:s21] =	ssyncset.done $0x0  }
0x89: {  	[sflag:s21] =	ssyncadd.s32 $0xFFFFE000  }
0x8a: {  	s29 =	stileid.u32;
	_ =	swait.ge [sflag:s25], $0x2000  }
0x8b: {  	s31 =	sadd.s32 $0x1, s31;
	s0 =	sshll.u32 s29, $0x6;
	[sflag:s25] =	ssyncset.done $0x0  }
0x8c: {  	p0 =	sne.s32 s31, s10;
	s0 =	sor.u32 $0x1C03, s0;
	[sflag:s25] =	ssyncadd.s32 $0xFFFFE000  }
.Ltmp1:
0x8d: {  	s30 =	sshrl.u32 s6, $0x3;
	[bflag:$0x0] =	sbarrier.arrive $0xFFFF;
	(pc) =	sbr.rel @p0 .LBB2_1-.Ltmp1, $4  }
0x8e: {  	[hbm:s9], [sflag:s0] =	dma.local [spmem:s30], $0x2800  }
0x8f: {  	_ =	swait.ge [sflag:s21], $0x2800  }
0x90: {  	[sflag:s21] =	ssyncset.done $0x0  }
0x91: {  	[sflag:s21] =	ssyncadd.s32 $0xFFFFD800  }
0x92: {  	_ =	sfence.sel $0x180000  }
0x93: {  	[bflag:$0x0] =	sbarrier.arrive $0xFFFF  }
0x94: {  	_ =	strace $0x9000004D  }
0x95: {  	s0 =	stileid.u32;
	[bflag:$0x2] =	sbarrier.arrive $0xFFFF  }
0x96: {  	p0 =	sne.s32 s0, $0x0;
	s0 =	rddreg [dreg:$0x3]  }
0x97: {  	s0 =	sadd.s32 @!p0 $0x100000, s0  }
0x98: {  	[sflag:s0] =	ssyncadd.tile.s32 @!p0 $0x1;
	_ =	shalt  }
.Lfunc_end2:
_tile_overlayer_lowered:
.L_overlay_start_2:
0x99: {  	(tag) =	ssettag $0x2  }
0x9a: {  	s0 =	rddreg [dreg:$0x0];
	s2 =	stileid.u32  }
0x9b: {  	s1 =	rddreg [dreg:$0x1];
	p0 =	sne.s32 s2, $0x0  }
0x9c: {  	s3 =	rddreg [dreg:$0x2];
	[bflag:$0x3] =	sbarrier.arrive $0xFFFF;
	s2 =	simm.s32 @!p0 $0x1C03  }
0x9d: {  	[timem:s3], [sflag:s2] =	dma.local @!p0 [hbm:s0], s1  }
0x9e: {  	s0 =	simm.s32 @!p0 $0x3  }
0x9f: {  	_ =	swait.ge @!p0 [sflag:s0], s1  }
0xa0: {  	s1 =	ssub.s32 @!p0 $0x0, s1;
	[sflag:s0] =	ssyncset.done @!p0 $0x0  }
0xa1: {  	[sflag:s0] =	ssyncadd.s32 @!p0 s1  }
0xa2: {  	[bflag:$0x3] =	sbarrier.arrive $0xFFFF  }
0xa3: {  	_ =	shalt  }

// kernel: kernel.19.cloned.1.call-start
scs
__scs_entry_jumppad:
0x0: {  	(pc) =	sbr.rel $0x88, $3  }
0x1: {  	(tag) =	ssettag $0x0;
	lr =	simm.s32 $0x1  }
0x2: {  	[smem:$0x3F99] =	sst lr;
	_ =	strace $0xD0000000  }
0x3: {  	_ = 	snop  }
0x4: {  	_ = 	snop  }
0x5: {  	_ = 	snop  }
0x6: {  	_ = 	snop  }
0x7: {  	_ = 	snop  }
__scs_overlays_trampoline_lowered:
0x8: {  	[smem:$0x3FA8] =	sst s0  }
0x9: {  	[smem:$0x3FA9] =	sst s1  }
0xa: {  	[smem:$0x3FAA] =	sst s2  }
0xb: {  	[smem:$0x3FAB] =	sst s3  }
0xc: {  	[smem:$0x3FAC] =	sst s4  }
0xd: {  	[smem:$0x3FAD] =	sst s5  }
0xe: {  	[smem:$0x3FAE] =	sst s6  }
0xf: {  	[smem:$0x3FAF] =	sst s7  }
0x10: {  	[smem:$0x3FB0] =	sst s8  }
0x11: {  	[smem:$0x3FB1] =	sst s9;
	s0 =	simm.s32 @!p0 $0x0  }
0x12: {  	s1 =	sld [smem:$0x3F97];
	s0 =	simm.s32 @p0 $0x1  }
0x13: {  	[smem:$0x3FB2] =	sst s0;
	s0 =	simm.s32 @!p1 $0x0  }
0x14: {  	s2 =	sld [smem:$0x3F96];
	s0 =	simm.s32 @p1 $0x1  }
0x15: {  	[smem:$0x3FB3] =	sst s0;
	s0 =	simm.s32 @!p2 $0x0  }
0x16: {  	s3 =	sld [smem:$0x3FDB];
	s0 =	simm.s32 @p2 $0x1  }
0x17: {  	s4 =	simm.s32 $0x1BF5;
	[smem:$0x3FB5] =	sst s0  }
0x18: {  	s0 =	sld [smem:$0x3F98];
	_ =	swait.ge [sflag:s4], $0x0  }
0x19: {  	s7 =	sld [smem:$0x3F99]  }
0x1a: {  	s8 =	sadd.s32 $0xFFFFE003, lr  }
0x1b: {  	s9 =	sadd.s32 $0xFFFFFEF7, lr;
	s5 =	simm.s32 $0xFFFFFFFF;
	p2 =	slt.u32 s8, $0xFFFFF086  }
0x1c: {  	p1 =	slt.u32 s9, $0xF7A;
	s5 =	simm.s32 @!p2 $0x0  }
0x1d: {  	s5 =	simm.s32 @p1 $0x1;
	p0 =	seq.s32 s7, s2  }
0x1e: {  	s7 =	smul.u32 @!p0 $0xF7A, s2;
	p2 =	seq.s32 @!p0 s5, $0x0  }
0x1f: {  	s9 =	smul.u32 $0xF7A, s1;
	s8 =	simm.s32 @!p0 $0x1BF5;
	p2 =	por !p2, p0  }
0x20: {  	[sflag:s8] =	ssyncset.s32 @!p0 $0xFFFFF086;
	s6 =	sadd.s32 @!p0 s3, s7;
	s7 =	simm.s32 @!p0 $0x108  }
0x21: {  	s3 =	sadd.s32 s3, s9;
	s6 =	sadd.s32 @!p0 $0x88, s6;
	s7 =	simm.s32 @p2 $0x1082  }
0x22: {  	[simem:s7], [sflag:s8] =	dma.local @!p0 [hbm:s6], $0xF7A  }
0x23: {  	s9 =	sor.u32 $0xD0000000, s2;
	s6 =	simm.s32 $0x108;
	_ =	swait.ge @!p0 [sflag:s8], $0x0  }
0x24: {  	s3 =	sadd.s32 $0x88, s3;
	s6 =	simm.s32 @!p1 $0x1082;
	[sflag:s4] =	ssyncset.s32 $0xFFFFF086  }
0x25: {  	[simem:s6], [sflag:s4] =	dma.local [hbm:s3], $0xF7A  }
0x26: {  	[smem:$0x3F99] =	sst s1;
	(tag) =	ssettag s2;
	_ =	strace s9  }
0x27: {  	s1 =	sld [smem:$0x3FA9]  }
0x28: {  	s2 =	sld [smem:$0x3FAA]  }
0x29: {  	s4 =	sld [smem:$0x3FAC]  }
0x2a: {  	p0 =	seq.s32 s5, $0x0;
	s5 =	sld [smem:$0x3FAD]  }
0x2b: {  	s6 =	sld [smem:$0x3FAE]  }
0x2c: {  	s7 =	sld [smem:$0x3FAF]  }
0x2d: {  	s3 =	simm.s32 $0x108;
	s8 =	sld [smem:$0x3FB0]  }
0x2e: {  	s3 =	simm.s32 @!p0 $0x1082;
	s9 =	sld [smem:$0x3FB1]  }
0x2f: {  	lr =	sadd.s32 s0, s3;
	s0 =	sld [smem:$0x3FA8]  }
0x30: {  	s3 =	sld [smem:$0x3FAB]  }
0x31: {  	[smem:$0x3FB4] =	sst s10  }
0x32: {  	s10 =	sld [smem:$0x3FB2];
	_ =	sdelay $0x3  }
0x33: {  	p0 =	seq.s32 s10, $0x1;
	s10 =	sld [smem:$0x3FB4];
	_ =	sdelay $0x3  }
0x34: {  	[smem:$0x3FB4] =	sst s10  }
0x35: {  	s10 =	sld [smem:$0x3FB3];
	_ =	sdelay $0x3  }
0x36: {  	p1 =	seq.s32 s10, $0x1;
	s10 =	sld [smem:$0x3FB4];
	_ =	sdelay $0x3  }
0x37: {  	[smem:$0x3FB4] =	sst s10  }
0x38: {  	s10 =	sld [smem:$0x3FB5]  }
0x39: {  	_ = 	snop;
	(pc) =	sbr.ind lr, $3  }
0x3a: {  	_ = 	snop  }
0x3b: {  	_ = 	snop  }
0x3c: {  	p2 =	seq.s32 s10, $0x1;
	s10 =	sld [smem:$0x3FB4]  }
0x3d: {  	_ =	shalt  }
0x3e: {  	_ =	shalt  }
0x3f: {  	_ =	shalt  }
0x40: {  	_ =	shalt  }
0x41: {  	_ =	shalt  }
0x42: {  	_ =	shalt  }
0x43: {  	_ =	shalt  }
0x44: {  	_ =	shalt  }
0x45: {  	_ =	shalt  }
0x46: {  	_ =	shalt  }
0x47: {  	_ =	shalt  }
0x48: {  	_ =	shalt  }
0x49: {  	_ =	shalt  }
0x4a: {  	_ =	shalt  }
0x4b: {  	_ =	shalt  }
0x4c: {  	_ =	shalt  }
0x4d: {  	_ =	shalt  }
0x4e: {  	_ =	shalt  }
0x4f: {  	_ =	shalt  }
0x50: {  	_ =	shalt  }
0x51: {  	_ =	shalt  }
0x52: {  	_ =	shalt  }
0x53: {  	_ =	shalt  }
0x54: {  	_ =	shalt  }
0x55: {  	_ =	shalt  }
0x56: {  	_ =	shalt  }
0x57: {  	_ =	shalt  }
0x58: {  	_ =	shalt  }
0x59: {  	_ =	shalt  }
0x5a: {  	_ =	shalt  }
0x5b: {  	_ =	shalt  }
0x5c: {  	_ =	shalt  }
0x5d: {  	_ =	shalt  }
0x5e: {  	_ =	shalt  }
0x5f: {  	_ =	shalt  }
0x60: {  	_ =	shalt  }
0x61: {  	_ =	shalt  }
0x62: {  	_ =	shalt  }
0x63: {  	_ =	shalt  }
0x64: {  	_ =	shalt  }
0x65: {  	_ =	shalt  }
0x66: {  	_ =	shalt  }
0x67: {  	_ =	shalt  }
0x68: {  	_ =	shalt  }
0x69: {  	_ =	shalt  }
0x6a: {  	_ =	shalt  }
0x6b: {  	_ =	shalt  }
0x6c: {  	_ =	shalt  }
0x6d: {  	_ =	shalt  }
0x6e: {  	_ =	shalt  }
0x6f: {  	_ =	shalt  }
0x70: {  	_ =	shalt  }
0x71: {  	_ =	shalt  }
0x72: {  	_ =	shalt  }
0x73: {  	_ =	shalt  }
0x74: {  	_ =	shalt  }
0x75: {  	_ =	shalt  }
0x76: {  	_ =	shalt  }
0x77: {  	_ =	shalt  }
0x78: {  	_ =	shalt  }
0x79: {  	_ =	shalt  }
0x7a: {  	_ =	shalt  }
0x7b: {  	_ =	shalt  }
0x7c: {  	_ =	shalt  }
0x7d: {  	_ =	shalt  }
0x7e: {  	_ =	shalt  }
0x7f: {  	_ =	shalt  }
0x80: {  	_ =	shalt  }
0x81: {  	_ =	shalt  }
0x82: {  	_ =	shalt  }
0x83: {  	_ =	shalt  }
0x84: {  	_ =	shalt  }
0x85: {  	_ =	shalt  }
0x86: {  	_ =	shalt  }
0x87: {  	_ =	shalt  }
.Lfunc_end0:
.L_simem_size_0:
called_computation.3_lowered:
.L_overlay_start_0:
0x88: {  	s2 =	sld [smem:$0x3FD9]  }
0x89: {  	s3 =	sld [smem:$0x3FFE];
	_ =	sdelay $0x1  }
0x8a: {  	s1 =	srdreg.scid  }
0x8b: {  	s0 =	sand.u32 $0x1, s1  }
0x8c: {  	s16 =	sshll.u32 s0, $0xA;
	s2 =	sadd.s32 s3, s2  }
0x8d: {  	s2 =	sadd.s32 s2, s16  }
0x8e: {  	[smem:$0x3FC0] =	sst s2  }
0x8f: {  	_ = 	snop  }
0x90: {  	(tm) =	ssettm $0x1  }
0x91: {  	s17 =	sld [smem:$0x3FFB];
	_ =	sdelay $0x3  }
0x92: {  	_ =	strace s17  }
0x93: {  	s2 =	sld [smem:$0x3FFC];
	_ =	sdelay $0x3  }
0x94: {  	_ =	strace s2  }
0x95: {  	s2 =	sld [smem:$0x3FFD];
	_ =	sdelay $0x3  }
0x96: {  	_ =	strace s2  }
0x97: {  	_ =	strace $0x8FFFFFFF  }
0x98: {  	s18 =	sld [smem:$0x3FDB];
	_ =	sdelay $0x1  }
0x99: {  	s19 =	simm.s32 $_scs_section_size  }
0x9a: {  	s4 =	simm.s32 $_size__tile_overlayer_lowered;
	s5 =	simm.s32 $_tile_overlayer_lowered  }
0x9b: {  	s22 =	simm.s32 $0x1BFF;
	s21 =	sshll.u32 s5, $0x1;
	s2 =	sadd.s32 s19, s18  }
0x9c: {  	s6 =	simm.s32 $0x0;
	s20 =	sshll.u32 s4, $0x1;
	s4 =	sadd.s32 s21, s2  }
0x9d: {  	[timem:s6], [sflag:s22] =	dma.local [hbm:s4], s20  }
0x9e: {  	_ =	swait.ge [sflag:s22], s20  }
0x9f: {  	s3 =	ssub.s32 $0x0, s20;
	[sflag:s22] =	ssyncset.done $0x0  }
0xa0: {  	[sflag:s22] =	ssyncadd.s32 s3;
	_ =	sdelay $0x1  }
0xa1: {  	s23 =	simm.s32 $0x1B8B  }
0xa2: {  	_ =	swait.ge [sflag:s23], $0x1  }
0xa3: {  	[sflag:s23] =	ssyncset.done $0x0  }
0xa4: {  	s25 =	simm.s32 $0x1B8E;
	s24 =	sld [smem:$0x3FFE];
	[sflag:s23] =	ssyncadd.s32 $0xFFFFFFFF  }
0xa5: {  	s26 =	simm.s32 $execute0_lowered;
	[smem:$0x3FD2] =	sst s25  }
0xa6: {  	s4 =	sshll.u32 s26, $0x1;
	_ =	strace $0x8000004F;
	[dreg:$0x1] =	wrdreg $0xFFFFFFFF  }
0xa7: {  	s28 =	simm.s32 $_size_execute0_lowered;
	s2 =	sadd.s32 s2, s4;
	[dreg:$0x0] =	wrdreg $0x0  }
0xa8: {  	s4 =	sshll.u32 s28, $0x1;
	[dreg:$0x2] =	wrdreg s2  }
0xa9: {  	[dreg:$0x3] =	wrdreg s4  }
0xaa: {  	[dreg:$0x4] =	wrdreg $0xC0  }
0xab: {  	_ =	task [dreg:s6], $0x5FFFF  }
0xac: {  	[dreg:$0x1] =	wrdreg $0xFFFFFFFF  }
0xad: {  	[dreg:$0x0] =	wrdreg $0x60  }
0xae: {  	[dreg:$0x2] =	wrdreg s24  }
0xaf: {  	[dreg:$0x3] =	wrdreg $0x68000  }
0xb0: {  	[dreg:$0x4] =	wrdreg $0x9  }
0xb1: {  	_ =	task.clear_ibuf [dreg:s6], $0x5FFFF;
	_ =	strace $0x9000004F  }
0xb2: {  	s29 =	simm.s32 $0x9;
	_ =	strace $0x80000051  }
0xb3: {  	_ =	swait.ge [sflag:s29], $0x1  }
0xb4: {  	[sflag:s29] =	ssyncadd.s32 $0xFFFFFFFF  }
0xb5: {  	_ =	strace $0x90000051  }
0xb6: {  	_ =	sfence  }
0xb7: {  	s30 =	sld [smem:$0x0];
	_ =	sdelay $0x2  }
0xb8: {  	s31 =	sshll.u32 s1, $0xD;
	s1 =	sshrl.u32 s1, $0x2  }
0xb9: {  	s3 =	sand.u32 $0x4000, s31;
	s1 =	sadd.s32 s1, s30  }
0xba: {  	s0 =	sor.u32 s3, s0;
	s1 =	sshll.u32 s1, $0x11  }
0xbb: {  	s0 =	sor.u32 s1, s0  }
0xbc: {  	s0 =	sadd.s32 $0x8F2B, s0  }
0xbd: {  	[sflag:s0] =	ssyncadd.remote.s32 $0x1  }
0xbe: {  	_ =	sfence.sel $0xFFFF  }
0xbf: {  	[dreg:$0x0] =	wrdreg $0xFFFFFFFF;
	(pc) =	sbr.abs _section_cstart, $3  }
0xc0: {  	[dreg:$0x1] =	wrdreg $0xFFFFFFFF  }
0xc1: {  	_ =	task.clear_ibuf [dreg:s6], $0x2FFFF;
	_ =	strace $0x9FFFFFFF  }
0xc2: {  	(tm) =	ssettm $0x7FFFFFFF  }
0xc3: {  	_ =	shalt  }
tec
execute0_lowered:
.L_overlay_start_1:
0x0: {  	(tag) =	ssettag $0x1  }
0x1: {  	s0 =	rddreg [dreg:$0x0];
	s1 =	srdreg.scid  }
0x2: {  	s2 =	rddreg [dreg:$0x1];
	s8 =	stileid.u32  }
0x3: {  	s3 =	simm.s32 $0x0;
	s20 =	simm.s32 $0x2800;
	s21 =	simm.s32 $0x3  }
0x4: {  	s23 =	simm.s32 $0x40;
	s24 =	simm.s32 $0x4800;
	s5 =	smul.u32 $0x50, s8  }
0x5: {  	s25 =	simm.s32 $0x1;
	s26 =	simm.s32 $0x2;
	s7 =	smul.u32 $0x2800, s8  }
0x6: {  	s28 =	simm.s32 $0x13C0;
	s1 =	sand.u32 $0x1, s1;
	s8 =	smul.u32 $0x50000, s8  }
0x7: {  	s31 =	simm.s32 $0x0;
	[smem:$0x7FF] =	sst s3;
	s4 =	smul.u32 $0x500, s1  }
0x8: {  	s6 =	smul.u32 $0x28000, s1;
	_ =	strace $0x80000050;
	s1 =	ssub.s32 $0x2, s1  }
0x9: {  	s30 =	sshrl.u32 s1, $0x1;
	s8 =	sshrl.u32 s8, $0x2;
	s5 =	sadd.s32 s5, s4  }
0xa: {  	s4 =	sadd.s32 $0x16200, s0;
	s1 =	ssub.s32 s1, s30;
	s5 =	sshll.u32 s5, $0x3  }
0xb: {  	s6 =	sadd.s32 s7, s6;
	s10 =	smax.u32 s1, $0x1;
	s9 =	sadd.s32 s5, s0  }
0xc: {  	s5 =	sadd.s32 $0x6E00, s0;
	s0 =	sadd.s32 s6, s0;
	s6 =	sadd.s32 s8, s2  }
0xd: {  	s7 =	sadd.s32 $0x11200, s9;
	s8 =	sadd.s32 $0x1E00, s9;
	s9 =	sadd.s32 $0x3E200, s0  }
0xe: {  	s11 =	sadd.s32 $0x2000, s6;
	s12 =	sadd.s32 $0x4000, s6;
	s13 =	sadd.s32 $0x6000, s6  }
0xf: {  	s14 =	sadd.s32 $0x8000, s6;
	s15 =	sadd.s32 $0xA000, s6;
	s16 =	sadd.s32 $0xC000, s6  }
0x10: {  	s17 =	sadd.s32 $0xE000, s6;
	s18 =	sadd.s32 $0x10000, s6;
	s19 =	sadd.s32 $0x12000, s6  }
.LBB2_1:
0x11: {  	[tilespmem:s20], [sflag:$0x3] =	stream.linear.gather [hbm4b:s5+s3], $0x2000, $0x38;
	[tilespmem:$0x1A800] =	vst v63  }
0x12: {  	_ =	swait.ge [sflag:s21], $0x2000  }
0x13: {  	[sflag:s21] =	ssyncset.done $0x0  }
0x14: {  	[sflag:s21] =	ssyncadd.s32 $0xFFFFE000  }
0x15: {  	[spmem:s6] =	stream.linear.scatter [tilespmem:s20], [sflag:$0x3], $0x2000, $0x38;
	[tilespmem:$0x1A800] =	vst v63  }
0x16: {  	_ =	swait.ge [sflag:s21], $0x2000  }
0x17: {  	[sflag:s21] =	ssyncset.done $0x0  }
0x18: {  	[sflag:s21] =	ssyncadd.s32 $0xFFFFE000  }
0x19: {  	[spmem:s11] =	stream.linear.scatter [tilespmem:s20], [sflag:$0x3], $0x2000, $0x38;
	[tilespmem:$0x1A800] =	vst v63  }
0x1a: {  	_ =	swait.ge [sflag:s21], $0x2000  }
0x1b: {  	[sflag:s21] =	ssyncset.done $0x0  }
0x1c: {  	[sflag:s21] =	ssyncadd.s32 $0xFFFFE000  }
0x1d: {  	[spmem:s12] =	stream.linear.scatter [tilespmem:s20], [sflag:$0x3], $0x2000, $0x38;
	[tilespmem:$0x1A800] =	vst v63  }
0x1e: {  	_ =	swait.ge [sflag:s21], $0x2000  }
0x1f: {  	[sflag:s21] =	ssyncset.done $0x0  }
0x20: {  	[sflag:s21] =	ssyncadd.s32 $0xFFFFE000  }
0x21: {  	[spmem:s13] =	stream.linear.scatter [tilespmem:s20], [sflag:$0x3], $0x2000, $0x38;
	[tilespmem:$0x1A800] =	vst v63  }
0x22: {  	_ =	swait.ge [sflag:s21], $0x2000  }
0x23: {  	[sflag:s21] =	ssyncset.done $0x0  }
0x24: {  	[sflag:s21] =	ssyncadd.s32 $0xFFFFE000  }
0x25: {  	[spmem:s14] =	stream.linear.scatter [tilespmem:s20], [sflag:$0x3], $0x2000, $0x38;
	[tilespmem:$0x1A800] =	vst v63  }
0x26: {  	_ =	swait.ge [sflag:s21], $0x2000  }
0x27: {  	[sflag:s21] =	ssyncset.done $0x0  }
0x28: {  	[sflag:s21] =	ssyncadd.s32 $0xFFFFE000  }
0x29: {  	[spmem:s15] =	stream.linear.scatter [tilespmem:s20], [sflag:$0x3], $0x2000, $0x38;
	[tilespmem:$0x1A800] =	vst v63  }
0x2a: {  	_ =	swait.ge [sflag:s21], $0x2000  }
0x2b: {  	[sflag:s21] =	ssyncset.done $0x0  }
0x2c: {  	[sflag:s21] =	ssyncadd.s32 $0xFFFFE000  }
0x2d: {  	[spmem:s16] =	stream.linear.scatter [tilespmem:s20], [sflag:$0x3], $0x2000, $0x38;
	[tilespmem:$0x1A800] =	vst v63  }
0x2e: {  	_ =	swait.ge [sflag:s21], $0x2000  }
0x2f: {  	[sflag:s21] =	ssyncset.done $0x0  }
0x30: {  	[sflag:s21] =	ssyncadd.s32 $0xFFFFE000  }
0x31: {  	[spmem:s17] =	stream.linear.scatter [tilespmem:s20], [sflag:$0x3], $0x2000, $0x38;
	[tilespmem:$0x1A800] =	vst v63  }
0x32: {  	_ =	swait.ge [sflag:s21], $0x2000  }
0x33: {  	[sflag:s21] =	ssyncset.done $0x0  }
0x34: {  	[sflag:s21] =	ssyncadd.s32 $0xFFFFE000  }
0x35: {  	[spmem:s18] =	stream.linear.scatter [tilespmem:s20], [sflag:$0x3], $0x2000, $0x38;
	[tilespmem:$0x1A800] =	vst v63  }
0x36: {  	_ =	swait.ge [sflag:s21], $0x2000  }
0x37: {  	[sflag:s21] =	ssyncset.done $0x0  }
0x38: {  	[sflag:s21] =	ssyncadd.s32 $0xFFFFE000  }
0x39: {  	[spmem:s19] =	stream.linear.scatter [tilespmem:s20], [sflag:$0x3], $0x2000, $0x38;
	[tilespmem:$0x1A800] =	vst v63  }
0x3a: {  	_ =	swait.ge [sflag:s21], $0x2000  }
0x3b: {  	[sflag:s21] =	ssyncset.done $0x0  }
0x3c: {  	[sflag:s21] =	ssyncadd.s32 $0xFFFFE000  }
0x3d: {  	[tilespmem:s3], [sflag:$0x3] =	stream.linear.gather [hbm4b:s7+s3], $0x1400, $0x38;
	[tilespmem:$0x1A800] =	vst v63  }
0x3e: {  	_ =	swait.ge [sflag:s21], $0x1400  }
0x3f: {  	[sflag:s21] =	ssyncset.done $0x0  }
0x40: {  	s0 =	simm.s32 $0x1400;
	[sflag:s21] =	ssyncadd.s32 $0xFFFFEC00  }
0x41: {  	[tilespmem:s0], [sflag:$0x3] =	stream.linear.gather [hbm4b:s8+s3], $0x1400, $0x38;
	[tilespmem:$0x1A800] =	vst v63  }
0x42: {  	_ =	swait.ge [sflag:s21], $0x1400  }
0x43: {  	[sflag:s21] =	ssyncset.done $0x0  }
0x44: {  	[sflag:s21] =	ssyncadd.s32 $0xFFFFEC00  }
0x45: {  	[bflag:$0x0] =	sbarrier.arrive $0xFFFF  }
0x46: {  	[tilespmem:s20], [sflag:$0x1] =	stream.indirect.gather [hbm4b:s4+s23], $0x80, s3, s23, $0xb8;
	[tilespmem:$0x1A800] =	vst v63  }
0x47: {  	s1 =	simm.s32 $0x40  }
0x48: {  	[tilespmem:s24], [sflag:$0x2] =	stream.indirect.gather [hbm4b:s4+s23], $0x80, s1, s23, $0xb8;
	[tilespmem:$0x1A800] =	vst v63  }
0x49: {  	_ =	swait.ge [sflag:s25], $0x2000  }
0x4a: {  	[sflag:s25] =	ssyncset.done $0x0  }
0x4b: {  	s22 =	simm.s32 $0x1400;
	[sflag:s25] =	ssyncadd.s32 $0xFFFFE000  }
0x4c: {  	[spmem:s2] =	stream.indirect.scatter.add.f32 [tilespmem:s20], [sflag:$0x3], $0x80, s22, s23, $0xb8;
	[tilespmem:$0x1A800] =	vst v63  }
0x4d: {  	_ =	swait.ge [sflag:s21], $0x2000  }
0x4e: {  	[sflag:s21] =	ssyncset.done $0x0  }
0x4f: {  	s29 =	simm.s32 $0x80;
	[sflag:s21] =	ssyncadd.s32 $0xFFFFE000  }
0x50: {  	[tilespmem:s20], [sflag:$0x1] =	stream.indirect.gather [hbm4b:s4+s23], $0x80, s29, s23, $0xb8;
	[tilespmem:$0x1A800] =	vst v63  }
0x51: {  	_ =	swait.ge [sflag:s26], $0x2000  }
0x52: {  	[sflag:s26] =	ssyncset.done $0x0  }
0x53: {  	s30 =	simm.s32 $0x1440;
	[sflag:s26] =	ssyncadd.s32 $0xFFFFE000  }
0x54: {  	[spmem:s2] =	stream.indirect.scatter.add.f32 [tilespmem:s24], [sflag:$0x3], $0x80, s30, s23, $0xb8;
	[tilespmem:$0x1A800] =	vst v63  }
0x55: {  	_ =	swait.ge [sflag:s21], $0x2000  }
0x56: {  	s0 =	simm.s32 $0x80;
	s1 =	simm.s32 $0x400;
	[sflag:s21] =	ssyncset.done $0x0  }
.LBB2_2:
0x57: {  	s22 =	sadd.s32 $0x40, s0  }
0x58: {  	[sflag:s21] =	ssyncadd.s32 $0xFFFFE000;
	s29 =	smov.u32 s1;
	s30 =	sadd.s32 $0x200, s1  }
0x59: {  	[tilespmem:s24], [sflag:$0x2] =	stream.indirect.gather [hbm4b:s4+s23], $0x80, s22, s23, $0xb8;
	[tilespmem:$0x1A800] =	vst v63  }
0x5a: {  	p0 =	sne.s32 s1, $0x4C00;
	_ =	swait.ge [sflag:s25], $0x2000  }
0x5b: {  	[sflag:s25] =	ssyncset.done $0x0  }
0x5c: {  	s1 =	sadd.s32 $0x1400, s0;
	[sflag:s25] =	ssyncadd.s32 $0xFFFFE000  }
0x5d: {  	[spmem:s2] =	stream.indirect.scatter.add.f32 [tilespmem:s20], [sflag:$0x3], $0x80, s1, s23, $0xb8;
	[tilespmem:$0x1A800] =	vst v63  }
0x5e: {  	_ =	swait.ge [sflag:s21], $0x2000  }
0x5f: {  	[sflag:s21] =	ssyncset.done $0x0  }
0x60: {  	s1 =	sadd.s32 $0x80, s0;
	[sflag:s21] =	ssyncadd.s32 $0xFFFFE000  }
0x61: {  	[tilespmem:s20], [sflag:$0x1] =	stream.indirect.gather [hbm4b:s4+s23], $0x80, s1, s23, $0xb8;
	[tilespmem:$0x1A800] =	vst v63  }
0x62: {  	_ =	swait.ge [sflag:s26], $0x2000  }
.Ltmp0:
0x63: {  	[sflag:s26] =	ssyncset.done $0x0;
	(pc) =	sbr.rel @p0 .LBB2_2-.Ltmp0, $4  }
0x64: {  	s0 =	sadd.s32 $0x1440, s0;
	[sflag:s26] =	ssyncadd.s32 $0xFFFFE000  }
0x65: {  	[spmem:s2] =	stream.indirect.scatter.add.f32 [tilespmem:s24], [sflag:$0x3], $0x80, s0, s23, $0xb8;
	[tilespmem:$0x1A800] =	vst v63  }
0x66: {  	_ =	swait.ge [sflag:s21], $0x2000  }
0x67: {  	s1 =	smov.u32 s30;
	s0 =	sshra.s32 s29, $0x2;
	[sflag:s21] =	ssyncset.done $0x0  }
0x68: {  	s1 =	sadd.s32 $0x40, s0;
	[sflag:s21] =	ssyncadd.s32 $0xFFFFE000  }
0x69: {  	[tilespmem:s24], [sflag:$0x2] =	stream.indirect.gather [hbm4b:s4+s23], $0x80, s1, s23, $0xb8;
	[tilespmem:$0x1A800] =	vst v63  }
0x6a: {  	_ =	swait.ge [sflag:s25], $0x2000  }
0x6b: {  	[sflag:s25] =	ssyncset.done $0x0  }
0x6c: {  	s22 =	sadd.s32 $0x1400, s0;
	[sflag:s25] =	ssyncadd.s32 $0xFFFFE000  }
0x6d: {  	[spmem:s2] =	stream.indirect.scatter.add.f32 [tilespmem:s20], [sflag:$0x3], $0x80, s22, s23, $0xb8;
	[tilespmem:$0x1A800] =	vst v63  }
0x6e: {  	_ =	swait.ge [sflag:s21], $0x2000  }
0x6f: {  	[sflag:s21] =	ssyncset.done $0x0  }
0x70: {  	s29 =	sadd.s32 $0x80, s0;
	[sflag:s21] =	ssyncadd.s32 $0xFFFFE000  }
0x71: {  	[tilespmem:s20], [sflag:$0x1] =	stream.indirect.gather [hbm4b:s4+s23], $0x80, s29, s23, $0xb8;
	[tilespmem:$0x1A800] =	vst v63  }
0x72: {  	_ =	swait.ge [sflag:s26], $0x2000  }
0x73: {  	[sflag:s26] =	ssyncset.done $0x0  }
0x74: {  	s30 =	sadd.s32 $0x1440, s0;
	[sflag:s26] =	ssyncadd.s32 $0xFFFFE000  }
0x75: {  	[spmem:s2] =	stream.indirect.scatter.add.f32 [tilespmem:s24], [sflag:$0x3], $0x80, s30, s23, $0xb8;
	[tilespmem:$0x1A800] =	vst v63  }
0x76: {  	_ =	swait.ge [sflag:s21], $0x2000  }
0x77: {  	[sflag:s21] =	ssyncset.done $0x0  }
0x78: {  	[sflag:s21] =	ssyncadd.s32 $0xFFFFE000  }
0x79: {  	[tilespmem:s24], [sflag:$0x2] =	stream.indirect.gather [hbm4b:s4+s23], $0x80, s28, s23, $0xb8;
	[tilespmem:$0x1A800] =	vst v63  }
0x7a: {  	_ =	swait.ge [sflag:s25], $0x2000  }
0x7b: {  	[sflag:s25] =	ssyncset.done $0x0  }
0x7c: {  	s1 =	simm.s32 $0x2780;
	[sflag:s25] =	ssyncadd.s32 $0xFFFFE000  }
0x7d: {  	[spmem:s2] =	stream.indirect.scatter.add.f32 [tilespmem:s20], [sflag:$0x3], $0x80, s1, s23, $0xb8;
	[tilespmem:$0x1A800] =	vst v63  }
0x7e: {  	_ =	swait.ge [sflag:s21], $0x2000  }
0x7f: {  	[sflag:s21] =	ssyncset.done $0x0  }
0x80: {  	[sflag:s21] =	ssyncadd.s32 $0xFFFFE000  }
0x81: {  	[tilespmem:s20], [sflag:$0x1] =	stream.indirect.gather [hbm4b:s4+s23], $0x80, s28, s23, $0xb8;
	[tilespmem:$0x1A800] =	vst v63  }
0x82: {  	_ =	swait.ge [sflag:s26], $0x2000  }
0x83: {  	[sflag:s26] =	ssyncset.done $0x0  }
0x84: {  	s22 =	simm.s32 $0x27C0;
	[sflag:s26] =	ssyncadd.s32 $0xFFFFE000  }
0x85: {  	[spmem:s2] =	stream.indirect.scatter.add.f32 [tilespmem:s24], [sflag:$0x3], $0x80, s22, s23, $0xb8;
	[tilespmem:$0x1A800] =	vst v63  }
0x86: {  	_ =	swait.ge [sflag:s21], $0x2000  }
0x87: {  	[sflag:s21] =	ssyncset.done $0x0  }
0x88: {  	[sflag:s21] =	ssyncadd.s32 $0xFFFFE000  }
0x89: {  	s29 =	stileid.u32;
	_ =	swait.ge [sflag:s25], $0x2000  }
0x8a: {  	s31 =	sadd.s32 $0x1, s31;
	s0 =	sshll.u32 s29, $0x6;
	[sflag:s25] =	ssyncset.done $0x0  }
0x8b: {  	p0 =	sne.s32 s31, s10;
	s0 =	sor.u32 $0x1C03, s0;
	[sflag:s25] =	ssyncadd.s32 $0xFFFFE000  }
.Ltmp1:
0x8c: {  	s30 =	sshrl.u32 s6, $0x3;
	[bflag:$0x0] =	sbarrier.arrive $0xFFFF;
	(pc) =	sbr.rel @p0 .LBB2_1-.Ltmp1, $4  }
0x8d: {  	[hbm:s9], [sflag:s0] =	dma.local [spmem:s30], $0x2800  }
0x8e: {  	_ =	swait.ge [sflag:s21], $0x2800  }
0x8f: {  	[sflag:s21] =	ssyncset.done $0x0  }
0x90: {  	[sflag:s21] =	ssyncadd.s32 $0xFFFFD800  }
0x91: {  	_ =	sfence.sel $0x180000  }
0x92: {  	[bflag:$0x0] =	sbarrier.arrive $0xFFFF  }
0x93: {  	_ =	strace $0x90000050  }
0x94: {  	s0 =	stileid.u32;
	[bflag:$0x2] =	sbarrier.arrive $0xFFFF  }
0x95: {  	p0 =	sne.s32 s0, $0x0;
	s0 =	rddreg [dreg:$0x2]  }
0x96: {  	s0 =	sadd.s32 @!p0 $0x100000, s0  }
0x97: {  	[sflag:s0] =	ssyncadd.tile.s32 @!p0 $0x1;
	_ =	shalt  }
.Lfunc_end2:
_tile_overlayer_lowered:
.L_overlay_start_2:
0x98: {  	(tag) =	ssettag $0x2  }
0x99: {  	s0 =	rddreg [dreg:$0x0];
	s2 =	stileid.u32  }
0x9a: {  	s1 =	rddreg [dreg:$0x1];
	p0 =	sne.s32 s2, $0x0  }
0x9b: {  	s3 =	rddreg [dreg:$0x2];
	[bflag:$0x3] =	sbarrier.arrive $0xFFFF;
	s2 =	simm.s32 @!p0 $0x1C03  }
0x9c: {  	[timem:s3], [sflag:s2] =	dma.local @!p0 [hbm:s0], s1  }
0x9d: {  	s0 =	simm.s32 @!p0 $0x3  }
0x9e: {  	_ =	swait.ge @!p0 [sflag:s0], s1  }
0x9f: {  	s1 =	ssub.s32 @!p0 $0x0, s1;
	[sflag:s0] =	ssyncset.done @!p0 $0x0  }
0xa0: {  	[sflag:s0] =	ssyncadd.s32 @!p0 s1  }
0xa1: {  	[bflag:$0x3] =	sbarrier.arrive $0xFFFF  }
0xa2: {  	_ =	shalt  }

</sc_bundles>
